<compile_context>
chip_gen: v7x
topology: tpu7x:2x2x1
jax: 0.10.2.dev20260603
libtpu: 0.0.44.dev20260713+nightly
codegen_flags: <defaults>
</compile_context>

<pallas_src>
import functools

import jax
import jax.numpy as jnp
from jax import lax
from jax.experimental import pallas as pl
from jax.experimental.pallas import tpu as pltpu
from jax.experimental.pallas import tpu_sc as plsc

N = 10000
E = 320000
D = 128

NC = 2
NS = 16
NW = NC * NS
G = 128
GROUPS = 80
CHUNK = 16
NCHUNK = GROUPS // CHUNK
EW = G * GROUPS
E_PAD = NW * EW
ROWS_PER_TILE = 640
N_PAD = NS * ROWS_PER_TILE


def _sc_body(x_hbm, srcg_hbm, dstg_hbm,
             psum_hbm, pcnt_hbm,
             idx_src, idx_dst, rows, ones_v, zbuf, acc, cnt, sem0, sem1):
    c = lax.axis_index("c")
    s = lax.axis_index("s")
    wid = c * NS + s

    base = s * ROWS_PER_TILE

    def zrow_body(i, _):
        for u in range(D // 32):
            rows[0, i, pl.ds(u * 32, 32)] = jnp.zeros((32,), jnp.bfloat16)
        return _

    lax.fori_loop(0, G, zrow_body, None)
    for r in range(ROWS_PER_TILE // G):
        pltpu.sync_copy(rows.at[0],
                        acc.at[pl.ds(base + r * G, G)])
    for i in range(ROWS_PER_TILE // 16):
        zbuf[pl.ds(i * 16, 16)] = jnp.zeros((16,), jnp.float32)
    pltpu.sync_copy(zbuf, cnt.at[pl.ds(base, ROWS_PER_TILE)])

    for i in range(G // 16):
        ones_v[pl.ds(i * 16, 16)] = jnp.ones((16,), jnp.float32)

    def load_idx(k):
        pltpu.sync_copy(srcg_hbm.at[wid, pl.ds(k * CHUNK, CHUNK)], idx_src)
        pltpu.sync_copy(dstg_hbm.at[wid, pl.ds(k * CHUNK, CHUNK)], idx_dst)

    def gather(j, buf, sem):
        pltpu.async_copy(x_hbm.at[idx_src.at[j]], rows.at[buf], sem)

    def wait(buf, sem):
        pltpu.make_async_copy(x_hbm.at[idx_src.at[0]], rows.at[buf], sem).wait()

    def scatter(j, buf):
        pltpu.sync_copy(rows.at[buf], acc.at[idx_dst.at[j]], add=True)
        pltpu.sync_copy(ones_v, cnt.at[idx_dst.at[j]], add=True)

    load_idx(0)
    plsc.subcore_barrier()

    gather(0, 0, sem0)

    def chunk_body(k, _):
        def pair(g, _):
            j0 = 2 * g
            gather(j0 + 1, 1, sem1)
            wait(0, sem0)
            scatter(j0, 0)

            @pl.when(j0 + 2 < CHUNK)
            def _():
                gather(j0 + 2, 0, sem0)

            wait(1, sem1)
            scatter(j0 + 1, 1)
            return _

        lax.fori_loop(0, CHUNK // 2, pair, None)

        @pl.when(k + 1 < NCHUNK)
        def _():
            load_idx(k + 1)
            gather(0, 0, sem0)

        return _

    lax.fori_loop(0, NCHUNK, chunk_body, None)

    plsc.subcore_barrier()

    pltpu.sync_copy(acc.at[pl.ds(base, ROWS_PER_TILE)],
                    psum_hbm.at[c, pl.ds(base, ROWS_PER_TILE)])
    pltpu.sync_copy(cnt.at[pl.ds(base, ROWS_PER_TILE)],
                    pcnt_hbm.at[pl.ds(c * N_PAD + base, ROWS_PER_TILE)])


_sc_agg = pl.kernel(
    _sc_body,
    out_type=(
        jax.ShapeDtypeStruct((NC, N_PAD, D), jnp.bfloat16),
        jax.ShapeDtypeStruct((NC * N_PAD,), jnp.float32),
    ),
    mesh=plsc.VectorSubcoreMesh(core_axis_name="c", subcore_axis_name="s"),
    compiler_params=pltpu.CompilerParams(use_tc_tiling_on_sc=False),
    scratch_types=[
        pltpu.VMEM((CHUNK, G), jnp.int32),
        pltpu.VMEM((CHUNK, G), jnp.int32),
        pltpu.VMEM((2, G, D), jnp.bfloat16),
        pltpu.VMEM((G,), jnp.float32),
        pltpu.VMEM((ROWS_PER_TILE,), jnp.float32),
        pltpu.VMEM_SHARED((N_PAD, D), jnp.bfloat16),
        pltpu.VMEM_SHARED((N_PAD,), jnp.float32),
        pltpu.SemaphoreType.DMA,
        pltpu.SemaphoreType.DMA,
    ],
)


def _tc_body(x_ref, psum_ref, pcnt_ref, wrel_ref, wroot_ref, b_ref, out_ref):
    s = (psum_ref[0, :N, :].astype(jnp.float32)
         + psum_ref[1, :N, :].astype(jnp.float32))
    c = pcnt_ref[0, :N] + pcnt_ref[1, :N]
    agg = s * (1.0 / jnp.maximum(c, 1.0))[:, None]
    dn = (((1,), (1,)), ((), ()))
    out_ref[...] = (
        lax.dot_general(x_ref[...], wroot_ref[...], dn,
                        preferred_element_type=jnp.float32)
        + lax.dot_general(agg, wrel_ref[...], dn,
                          preferred_element_type=jnp.float32)
        + b_ref[...]
    )


@functools.partial(jax.jit, donate_argnums=())
def kernel(x, edge_index, W_rel, W_root, b_root):
    src = edge_index[0]
    dst = edge_index[1]
    pad = E_PAD - E
    src_g = jnp.concatenate([src, jnp.zeros((pad,), jnp.int32)])
    src_g = src_g.reshape(NW, GROUPS, G)
    dst_g = jnp.concatenate([dst, jnp.full((pad,), N, jnp.int32)])
    dst_g = dst_g.reshape(NW, GROUPS, G)
    psum, pcnt = _sc_agg(x.astype(jnp.bfloat16), src_g, dst_g)
    pcnt = pcnt.reshape(NC, N_PAD)

    out = pl.pallas_call(
        _tc_body,
        out_shape=jax.ShapeDtypeStruct((N, D), jnp.float32),
    )(x, psum, pcnt, W_rel, W_root, b_root.reshape(1, D))
    return out

# --- scband reference (transcript-rebuilt; emitter-appended) ---
"""Pipeline reference for scband-rgcnconv-17978733101512 (READ-ONLY COPY).

The authoritative reference and input builder live on the scoring server;
editing this copy changes nothing except your own understanding.
"""

import jax, jax.numpy as jnp
import numpy as np

N = 10000
E = 320000
D_IN = 128
D_OUT = 128


def setup_inputs(seed: int = 0) -> dict:
    key = jax.random.key(seed)
    k1, k2, k3, k4, k5 = jax.random.split(key, 5)
    x = jax.random.normal(k1, (N, D_IN), dtype=jnp.float32)
    edge_index = jax.random.randint(k2, (2, E), 0, N, dtype=jnp.int32)
    scale = 1.0 / np.sqrt(D_IN)
    # torch.nn.Linear params: weight [out, in], bias [out]
    W_rel = jax.random.uniform(k3, (D_OUT, D_IN), minval=-scale, maxval=scale, dtype=jnp.float32)
    W_root = jax.random.uniform(k4, (D_OUT, D_IN), minval=-scale, maxval=scale, dtype=jnp.float32)
    b_root = jax.random.uniform(k5, (D_OUT,), minval=-scale, maxval=scale, dtype=jnp.float32)
    return {"x": x, "edge_index": edge_index, "W_rel": W_rel, "W_root": W_root, "b_root": b_root}


def reference(x, edge_index, W_rel, W_root, b_root):
    # Single node type 'node' and single edge type ('node','to','node').
    # out['node'] = root_lin(x)
    out = x @ W_root.T + b_root
    # adj_t.matmul(x, reduce='mean'): mean of source features over incoming edges per dst node
    src = edge_index[0]
    dst = edge_index[1]
    msg = jnp.take(x, src, axis=0)               # gather (SparseCore-friendly)
    msg_sum = jax.ops.segment_sum(msg, dst, num_segments=N)
    cnt = jax.ops.segment_sum(jnp.ones((E,), dtype=jnp.float32), dst, num_segments=N)
    agg = msg_sum / jnp.maximum(cnt, 1.0)[:, None]
    # out['node'] += rel_lin(agg)  (in-place add_ in torch)
    out = out + agg @ W_rel.T
    return out

if __name__ == "__main__":
    import jax
    _d = setup_inputs()
    print(jax.jit(kernel)(*tuple(_d.values())))

</pallas_src>

<mosaic_0001>
#map = affine_map<(d0, d1) -> (0, 0)>
#map1 = affine_map<(d0, d1) -> (0, 0, 0)>
#map2 = affine_map<(d0, d1) -> (0)>
module attributes {stable_mosaic.version = 14 : i64} {
  func.func @_sc_body(%arg0: i32, %arg1: i32, %arg2: memref<10000x128xbf16, #tpu.memory_space<hbm>>, %arg3: memref<32x80x128xi32, #tpu.memory_space<hbm>>, %arg4: memref<32x80x128xi32, #tpu.memory_space<hbm>>, %arg5: memref<2x10240x128xbf16, #tpu.memory_space<hbm>>, %arg6: memref<20480xf32, #tpu.memory_space<hbm>>, %arg7: memref<16x128xi32, #tpu.memory_space<vmem>>, %arg8: memref<16x128xi32, #tpu.memory_space<vmem>>, %arg9: memref<2x128x128xbf16, #tpu.memory_space<vmem>>, %arg10: memref<128xf32, #tpu.memory_space<vmem>>, %arg11: memref<640xf32, #tpu.memory_space<vmem>>, %arg12: memref<10240x128xbf16, #tpu.memory_space<vmem_shared>>, %arg13: memref<10240xf32, #tpu.memory_space<vmem_shared>>, %arg14: memref<!tpu.dma_semaphore, #tpu.memory_space<semaphore_mem>>, %arg15: memref<!tpu.dma_semaphore, #tpu.memory_space<semaphore_mem>>) attributes {dimension_semantics = [#tpu.dimension_semantics<core_parallel>, #tpu.dimension_semantics<subcore_parallel>], iteration_bounds = array<i64: 2, 16>, scalar_prefetch = 0 : i64, scratch_operands = 9 : i64, tpu.core_type = #tpu.core_type<sc_vector_subcore>, window_params = [{transform_indices = #map}, {transform_indices = #map1}, {transform_indices = #map1}, {transform_indices = #map1}, {transform_indices = #map2}]} {
    %mul3A = arith.constant 16 : i32
    %mul3A_0 = arith.muli %arg0, %mul3A : i32
    %add3A = arith.addi %mul3A_0, %arg1 : i32
    %mul3A_1 = arith.constant 640 : i32
    %mul3A_2 = arith.muli %arg1, %mul3A_1 : i32
    %scan3A = arith.constant 0 : i32
    %scan3A_3 = arith.constant 128 : i32
    %scan3A_4 = arith.addi %scan3A, %scan3A_3 : i32
    %scan3A_5 = arith.constant 1 : i32
    scf.for %scan3A_327 = %scan3A to %scan3A_4 step %scan3A_5  : i32 {
      %broadcast_in_dim3A_328 = arith.constant 0.000000e+00 : bf16
      %broadcast_in_dim3A_329 = vector.broadcast %broadcast_in_dim3A_328 : bf16 to vector<32xbf16>
      %swap3A_330 = arith.constant 0 : i32
      %swap3A_331 = arith.index_cast %swap3A_330 : i32 to index
      %swap3A_332 = arith.index_cast %scan3A_327 : i32 to index
      %swap3A_333 = arith.constant 0 : index
      %swap3A_334 = tpu.vector_load %arg9[%swap3A_331, %swap3A_332, %swap3A_333] {strides = array<i32>} : memref<2x128x128xbf16, #tpu.memory_space<vmem>>, vector<1x1x32xbf16>,
      %swap3A_335 = vector.shape_cast %swap3A_334 : vector<1x1x32xbf16> to vector<32xbf16>
      %swap3A_336 = vector.shape_cast %broadcast_in_dim3A_329 : vector<32xbf16> to vector<1x1x32xbf16>
      tpu.vector_store %arg9[%swap3A_331, %swap3A_332, %swap3A_333], %swap3A_336 {strides = array<i32>} : memref<2x128x128xbf16, #tpu.memory_space<vmem>>, vector<1x1x32xbf16>,
      %broadcast_in_dim3A_337 = arith.constant 0.000000e+00 : bf16
      %broadcast_in_dim3A_338 = vector.broadcast %broadcast_in_dim3A_337 : bf16 to vector<32xbf16>
      %swap3A_339 = arith.constant 0 : i32
      %swap3A_340 = arith.index_cast %swap3A_339 : i32 to index
      %swap3A_341 = arith.index_cast %scan3A_327 : i32 to index
      %swap3A_342 = arith.constant 32 : index
      %swap3A_343 = tpu.vector_load %arg9[%swap3A_340, %swap3A_341, %swap3A_342] {strides = array<i32>} : memref<2x128x128xbf16, #tpu.memory_space<vmem>>, vector<1x1x32xbf16>,
      %swap3A_344 = vector.shape_cast %swap3A_343 : vector<1x1x32xbf16> to vector<32xbf16>
      %swap3A_345 = vector.shape_cast %broadcast_in_dim3A_338 : vector<32xbf16> to vector<1x1x32xbf16>
      tpu.vector_store %arg9[%swap3A_340, %swap3A_341, %swap3A_342], %swap3A_345 {strides = array<i32>} : memref<2x128x128xbf16, #tpu.memory_space<vmem>>, vector<1x1x32xbf16>,
      %broadcast_in_dim3A_346 = arith.constant 0.000000e+00 : bf16
      %broadcast_in_dim3A_347 = vector.broadcast %broadcast_in_dim3A_346 : bf16 to vector<32xbf16>
      %swap3A_348 = arith.constant 0 : i32
      %swap3A_349 = arith.index_cast %swap3A_348 : i32 to index
      %swap3A_350 = arith.index_cast %scan3A_327 : i32 to index
      %swap3A_351 = arith.constant 64 : index
      %swap3A_352 = tpu.vector_load %arg9[%swap3A_349, %swap3A_350, %swap3A_351] {strides = array<i32>} : memref<2x128x128xbf16, #tpu.memory_space<vmem>>, vector<1x1x32xbf16>,
      %swap3A_353 = vector.shape_cast %swap3A_352 : vector<1x1x32xbf16> to vector<32xbf16>
      %swap3A_354 = vector.shape_cast %broadcast_in_dim3A_347 : vector<32xbf16> to vector<1x1x32xbf16>
      tpu.vector_store %arg9[%swap3A_349, %swap3A_350, %swap3A_351], %swap3A_354 {strides = array<i32>} : memref<2x128x128xbf16, #tpu.memory_space<vmem>>, vector<1x1x32xbf16>,
      %broadcast_in_dim3A_355 = arith.constant 0.000000e+00 : bf16
      %broadcast_in_dim3A_356 = vector.broadcast %broadcast_in_dim3A_355 : bf16 to vector<32xbf16>
      %swap3A_357 = arith.constant 0 : i32
      %swap3A_358 = arith.index_cast %swap3A_357 : i32 to index
      %swap3A_359 = arith.index_cast %scan3A_327 : i32 to index
      %swap3A_360 = arith.constant 96 : index
      %swap3A_361 = tpu.vector_load %arg9[%swap3A_358, %swap3A_359, %swap3A_360] {strides = array<i32>} : memref<2x128x128xbf16, #tpu.memory_space<vmem>>, vector<1x1x32xbf16>,
      %swap3A_362 = vector.shape_cast %swap3A_361 : vector<1x1x32xbf16> to vector<32xbf16>
      %swap3A_363 = vector.shape_cast %broadcast_in_dim3A_356 : vector<32xbf16> to vector<1x1x32xbf16>
      tpu.vector_store %arg9[%swap3A_358, %swap3A_359, %swap3A_360], %swap3A_363 {strides = array<i32>} : memref<2x128x128xbf16, #tpu.memory_space<vmem>>, vector<1x1x32xbf16>,
    }
    %scan3A_6 = arith.constant 128 : i32
    %add3A_7 = arith.constant 0 : i32
    %add3A_8 = arith.addi %mul3A_2, %add3A_7 : i32
    %run_scoped3A = arith.constant 0 : i32
    "tpu.region"() ({
      %run_scoped3A_327 = tpu.sem_alloc : memref<!tpu.dma_semaphore, #tpu.memory_space<semaphore_mem>>
      %dma_start3A_328 = arith.constant 0 : i32
      %dma_start3A_329 = arith.constant 0 : i32
      %dma_start3A_330 = tpu.memref_slice %arg9[%run_scoped3A, %dma_start3A_328, %dma_start3A_329] : memref<2x128x128xbf16, #tpu.memory_space<vmem>> -> memref<1x128x128xbf16, #tpu.memory_space<vmem>>
      %dma_start3A_331 = tpu.memref_squeeze %dma_start3A_330 : memref<1x128x128xbf16, #tpu.memory_space<vmem>> -> memref<128x128xbf16, #tpu.memory_space<vmem>>
      %dma_start3A_332 = arith.constant 0 : i32
      %dma_start3A_333 = tpu.memref_slice %arg12[%add3A_8, %dma_start3A_332] : memref<10240x128xbf16, #tpu.memory_space<vmem_shared>> -> memref<128x128xbf16, #tpu.memory_space<vmem_shared>>
      %dma_start3A_334 = arith.constant 0 : i32
      %dma_start3A_335 = tpu.memref_slice %arg12[%add3A_8, %dma_start3A_334] : memref<10240x128xbf16, #tpu.memory_space<vmem_shared>> -> memref<128x128xbf16, #tpu.memory_space<vmem_shared>>
      %dma_start3A_336 = arith.constant 0 : i32
      %dma_start3A_337 = arith.constant 0 : i32
      %dma_start3A_338 = tpu.memref_slice %arg9[%run_scoped3A, %dma_start3A_336, %dma_start3A_337] : memref<2x128x128xbf16, #tpu.memory_space<vmem>> -> memref<1x128x128xbf16, #tpu.memory_space<vmem>>
      %dma_start3A_339 = tpu.memref_squeeze %dma_start3A_338 : memref<1x128x128xbf16, #tpu.memory_space<vmem>> -> memref<128x128xbf16, #tpu.memory_space<vmem>>
      tpu.enqueue_dma source(%dma_start3A_339 : memref<128x128xbf16, #tpu.memory_space<vmem>>) target(%dma_start3A_335 : memref<128x128xbf16, #tpu.memory_space<vmem_shared>>) target_semaphore(%run_scoped3A_327 : memref<!tpu.dma_semaphore, #tpu.memory_space<semaphore_mem>>)
      %dma_wait3A = arith.constant 0 : i32
      %dma_wait3A_340 = arith.constant 0 : i32
      %dma_wait3A_341 = tpu.memref_slice %arg9[%run_scoped3A, %dma_wait3A, %dma_wait3A_340] : memref<2x128x128xbf16, #tpu.memory_space<vmem>> -> memref<1x128x128xbf16, #tpu.memory_space<vmem>>
      %dma_wait3A_342 = tpu.memref_squeeze %dma_wait3A_341 : memref<1x128x128xbf16, #tpu.memory_space<vmem>> -> memref<128x128xbf16, #tpu.memory_space<vmem>>
      %dma_wait3A_343 = arith.constant 0 : i32
      %dma_wait3A_344 = tpu.memref_slice %arg12[%add3A_8, %dma_wait3A_343] : memref<10240x128xbf16, #tpu.memory_space<vmem_shared>> -> memref<128x128xbf16, #tpu.memory_space<vmem_shared>>
      %dma_wait3A_345 = arith.constant 0 : i32
      %dma_wait3A_346 = tpu.memref_slice %arg12[%add3A_8, %dma_wait3A_345] : memref<10240x128xbf16, #tpu.memory_space<vmem_shared>> -> memref<128x128xbf16, #tpu.memory_space<vmem_shared>>
      %dma_wait3A_347 = arith.constant 0 : i32
      %dma_wait3A_348 = arith.constant 0 : i32
      %dma_wait3A_349 = tpu.memref_slice %arg9[%run_scoped3A, %dma_wait3A_347, %dma_wait3A_348] : memref<2x128x128xbf16, #tpu.memory_space<vmem>> -> memref<1x128x128xbf16, #tpu.memory_space<vmem>>
      %dma_wait3A_350 = tpu.memref_squeeze %dma_wait3A_349 : memref<1x128x128xbf16, #tpu.memory_space<vmem>> -> memref<128x128xbf16, #tpu.memory_space<vmem>>
      tpu.wait_dma2 semaphore(%run_scoped3A_327 : memref<!tpu.dma_semaphore, #tpu.memory_space<semaphore_mem>>) src(%dma_wait3A_350 : memref<128x128xbf16, #tpu.memory_space<vmem>>) dst(%dma_wait3A_346 : memref<128x128xbf16, #tpu.memory_space<vmem_shared>>)
      tpu.yield
    }) : () -> ()
    %add3A_9 = arith.constant 128 : i32
    %add3A_10 = arith.addi %mul3A_2, %add3A_9 : i32
    %run_scoped3A_11 = arith.constant 0 : i32
    "tpu.region"() ({
      %run_scoped3A_327 = tpu.sem_alloc : memref<!tpu.dma_semaphore, #tpu.memory_space<semaphore_mem>>
      %dma_start3A_328 = arith.constant 0 : i32
      %dma_start3A_329 = arith.constant 0 : i32
      %dma_start3A_330 = tpu.memref_slice %arg9[%run_scoped3A_11, %dma_start3A_328, %dma_start3A_329] : memref<2x128x128xbf16, #tpu.memory_space<vmem>> -> memref<1x128x128xbf16, #tpu.memory_space<vmem>>
      %dma_start3A_331 = tpu.memref_squeeze %dma_start3A_330 : memref<1x128x128xbf16, #tpu.memory_space<vmem>> -> memref<128x128xbf16, #tpu.memory_space<vmem>>
      %dma_start3A_332 = arith.constant 0 : i32
      %dma_start3A_333 = tpu.memref_slice %arg12[%add3A_10, %dma_start3A_332] : memref<10240x128xbf16, #tpu.memory_space<vmem_shared>> -> memref<128x128xbf16, #tpu.memory_space<vmem_shared>>
      %dma_start3A_334 = arith.constant 0 : i32
      %dma_start3A_335 = tpu.memref_slice %arg12[%add3A_10, %dma_start3A_334] : memref<10240x128xbf16, #tpu.memory_space<vmem_shared>> -> memref<128x128xbf16, #tpu.memory_space<vmem_shared>>
      %dma_start3A_336 = arith.constant 0 : i32
      %dma_start3A_337 = arith.constant 0 : i32
      %dma_start3A_338 = tpu.memref_slice %arg9[%run_scoped3A_11, %dma_start3A_336, %dma_start3A_337] : memref<2x128x128xbf16, #tpu.memory_space<vmem>> -> memref<1x128x128xbf16, #tpu.memory_space<vmem>>
      %dma_start3A_339 = tpu.memref_squeeze %dma_start3A_338 : memref<1x128x128xbf16, #tpu.memory_space<vmem>> -> memref<128x128xbf16, #tpu.memory_space<vmem>>
      tpu.enqueue_dma source(%dma_start3A_339 : memref<128x128xbf16, #tpu.memory_space<vmem>>) target(%dma_start3A_335 : memref<128x128xbf16, #tpu.memory_space<vmem_shared>>) target_semaphore(%run_scoped3A_327 : memref<!tpu.dma_semaphore, #tpu.memory_space<semaphore_mem>>)
      %dma_wait3A = arith.constant 0 : i32
      %dma_wait3A_340 = arith.constant 0 : i32
      %dma_wait3A_341 = tpu.memref_slice %arg9[%run_scoped3A_11, %dma_wait3A, %dma_wait3A_340] : memref<2x128x128xbf16, #tpu.memory_space<vmem>> -> memref<1x128x128xbf16, #tpu.memory_space<vmem>>
      %dma_wait3A_342 = tpu.memref_squeeze %dma_wait3A_341 : memref<1x128x128xbf16, #tpu.memory_space<vmem>> -> memref<128x128xbf16, #tpu.memory_space<vmem>>
      %dma_wait3A_343 = arith.constant 0 : i32
      %dma_wait3A_344 = tpu.memref_slice %arg12[%add3A_10, %dma_wait3A_343] : memref<10240x128xbf16, #tpu.memory_space<vmem_shared>> -> memref<128x128xbf16, #tpu.memory_space<vmem_shared>>
      %dma_wait3A_345 = arith.constant 0 : i32
      %dma_wait3A_346 = tpu.memref_slice %arg12[%add3A_10, %dma_wait3A_345] : memref<10240x128xbf16, #tpu.memory_space<vmem_shared>> -> memref<128x128xbf16, #tpu.memory_space<vmem_shared>>
      %dma_wait3A_347 = arith.constant 0 : i32
      %dma_wait3A_348 = arith.constant 0 : i32
      %dma_wait3A_349 = tpu.memref_slice %arg9[%run_scoped3A_11, %dma_wait3A_347, %dma_wait3A_348] : memref<2x128x128xbf16, #tpu.memory_space<vmem>> -> memref<1x128x128xbf16, #tpu.memory_space<vmem>>
      %dma_wait3A_350 = tpu.memref_squeeze %dma_wait3A_349 : memref<1x128x128xbf16, #tpu.memory_space<vmem>> -> memref<128x128xbf16, #tpu.memory_space<vmem>>
      tpu.wait_dma2 semaphore(%run_scoped3A_327 : memref<!tpu.dma_semaphore, #tpu.memory_space<semaphore_mem>>) src(%dma_wait3A_350 : memref<128x128xbf16, #tpu.memory_space<vmem>>) dst(%dma_wait3A_346 : memref<128x128xbf16, #tpu.memory_space<vmem_shared>>)
      tpu.yield
    }) : () -> ()
    %add3A_12 = arith.constant 256 : i32
    %add3A_13 = arith.addi %mul3A_2, %add3A_12 : i32
    %run_scoped3A_14 = arith.constant 0 : i32
    "tpu.region"() ({
      %run_scoped3A_327 = tpu.sem_alloc : memref<!tpu.dma_semaphore, #tpu.memory_space<semaphore_mem>>
      %dma_start3A_328 = arith.constant 0 : i32
      %dma_start3A_329 = arith.constant 0 : i32
      %dma_start3A_330 = tpu.memref_slice %arg9[%run_scoped3A_14, %dma_start3A_328, %dma_start3A_329] : memref<2x128x128xbf16, #tpu.memory_space<vmem>> -> memref<1x128x128xbf16, #tpu.memory_space<vmem>>
      %dma_start3A_331 = tpu.memref_squeeze %dma_start3A_330 : memref<1x128x128xbf16, #tpu.memory_space<vmem>> -> memref<128x128xbf16, #tpu.memory_space<vmem>>
      %dma_start3A_332 = arith.constant 0 : i32
      %dma_start3A_333 = tpu.memref_slice %arg12[%add3A_13, %dma_start3A_332] : memref<10240x128xbf16, #tpu.memory_space<vmem_shared>> -> memref<128x128xbf16, #tpu.memory_space<vmem_shared>>
      %dma_start3A_334 = arith.constant 0 : i32
      %dma_start3A_335 = tpu.memref_slice %arg12[%add3A_13, %dma_start3A_334] : memref<10240x128xbf16, #tpu.memory_space<vmem_shared>> -> memref<128x128xbf16, #tpu.memory_space<vmem_shared>>
      %dma_start3A_336 = arith.constant 0 : i32
      %dma_start3A_337 = arith.constant 0 : i32
      %dma_start3A_338 = tpu.memref_slice %arg9[%run_scoped3A_14, %dma_start3A_336, %dma_start3A_337] : memref<2x128x128xbf16, #tpu.memory_space<vmem>> -> memref<1x128x128xbf16, #tpu.memory_space<vmem>>
      %dma_start3A_339 = tpu.memref_squeeze %dma_start3A_338 : memref<1x128x128xbf16, #tpu.memory_space<vmem>> -> memref<128x128xbf16, #tpu.memory_space<vmem>>
      tpu.enqueue_dma source(%dma_start3A_339 : memref<128x128xbf16, #tpu.memory_space<vmem>>) target(%dma_start3A_335 : memref<128x128xbf16, #tpu.memory_space<vmem_shared>>) target_semaphore(%run_scoped3A_327 : memref<!tpu.dma_semaphore, #tpu.memory_space<semaphore_mem>>)
      %dma_wait3A = arith.constant 0 : i32
      %dma_wait3A_340 = arith.constant 0 : i32
      %dma_wait3A_341 = tpu.memref_slice %arg9[%run_scoped3A_14, %dma_wait3A, %dma_wait3A_340] : memref<2x128x128xbf16, #tpu.memory_space<vmem>> -> memref<1x128x128xbf16, #tpu.memory_space<vmem>>
      %dma_wait3A_342 = tpu.memref_squeeze %dma_wait3A_341 : memref<1x128x128xbf16, #tpu.memory_space<vmem>> -> memref<128x128xbf16, #tpu.memory_space<vmem>>
      %dma_wait3A_343 = arith.constant 0 : i32
      %dma_wait3A_344 = tpu.memref_slice %arg12[%add3A_13, %dma_wait3A_343] : memref<10240x128xbf16, #tpu.memory_space<vmem_shared>> -> memref<128x128xbf16, #tpu.memory_space<vmem_shared>>
      %dma_wait3A_345 = arith.constant 0 : i32
      %dma_wait3A_346 = tpu.memref_slice %arg12[%add3A_13, %dma_wait3A_345] : memref<10240x128xbf16, #tpu.memory_space<vmem_shared>> -> memref<128x128xbf16, #tpu.memory_space<vmem_shared>>
      %dma_wait3A_347 = arith.constant 0 : i32
      %dma_wait3A_348 = arith.constant 0 : i32
      %dma_wait3A_349 = tpu.memref_slice %arg9[%run_scoped3A_14, %dma_wait3A_347, %dma_wait3A_348] : memref<2x128x128xbf16, #tpu.memory_space<vmem>> -> memref<1x128x128xbf16, #tpu.memory_space<vmem>>
      %dma_wait3A_350 = tpu.memref_squeeze %dma_wait3A_349 : memref<1x128x128xbf16, #tpu.memory_space<vmem>> -> memref<128x128xbf16, #tpu.memory_space<vmem>>
      tpu.wait_dma2 semaphore(%run_scoped3A_327 : memref<!tpu.dma_semaphore, #tpu.memory_space<semaphore_mem>>) src(%dma_wait3A_350 : memref<128x128xbf16, #tpu.memory_space<vmem>>) dst(%dma_wait3A_346 : memref<128x128xbf16, #tpu.memory_space<vmem_shared>>)
      tpu.yield
    }) : () -> ()
    %add3A_15 = arith.constant 384 : i32
    %add3A_16 = arith.addi %mul3A_2, %add3A_15 : i32
    %run_scoped3A_17 = arith.constant 0 : i32
    "tpu.region"() ({
      %run_scoped3A_327 = tpu.sem_alloc : memref<!tpu.dma_semaphore, #tpu.memory_space<semaphore_mem>>
      %dma_start3A_328 = arith.constant 0 : i32
      %dma_start3A_329 = arith.constant 0 : i32
      %dma_start3A_330 = tpu.memref_slice %arg9[%run_scoped3A_17, %dma_start3A_328, %dma_start3A_329] : memref<2x128x128xbf16, #tpu.memory_space<vmem>> -> memref<1x128x128xbf16, #tpu.memory_space<vmem>>
      %dma_start3A_331 = tpu.memref_squeeze %dma_start3A_330 : memref<1x128x128xbf16, #tpu.memory_space<vmem>> -> memref<128x128xbf16, #tpu.memory_space<vmem>>
      %dma_start3A_332 = arith.constant 0 : i32
      %dma_start3A_333 = tpu.memref_slice %arg12[%add3A_16, %dma_start3A_332] : memref<10240x128xbf16, #tpu.memory_space<vmem_shared>> -> memref<128x128xbf16, #tpu.memory_space<vmem_shared>>
      %dma_start3A_334 = arith.constant 0 : i32
      %dma_start3A_335 = tpu.memref_slice %arg12[%add3A_16, %dma_start3A_334] : memref<10240x128xbf16, #tpu.memory_space<vmem_shared>> -> memref<128x128xbf16, #tpu.memory_space<vmem_shared>>
      %dma_start3A_336 = arith.constant 0 : i32
      %dma_start3A_337 = arith.constant 0 : i32
      %dma_start3A_338 = tpu.memref_slice %arg9[%run_scoped3A_17, %dma_start3A_336, %dma_start3A_337] : memref<2x128x128xbf16, #tpu.memory_space<vmem>> -> memref<1x128x128xbf16, #tpu.memory_space<vmem>>
      %dma_start3A_339 = tpu.memref_squeeze %dma_start3A_338 : memref<1x128x128xbf16, #tpu.memory_space<vmem>> -> memref<128x128xbf16, #tpu.memory_space<vmem>>
      tpu.enqueue_dma source(%dma_start3A_339 : memref<128x128xbf16, #tpu.memory_space<vmem>>) target(%dma_start3A_335 : memref<128x128xbf16, #tpu.memory_space<vmem_shared>>) target_semaphore(%run_scoped3A_327 : memref<!tpu.dma_semaphore, #tpu.memory_space<semaphore_mem>>)
      %dma_wait3A = arith.constant 0 : i32
      %dma_wait3A_340 = arith.constant 0 : i32
      %dma_wait3A_341 = tpu.memref_slice %arg9[%run_scoped3A_17, %dma_wait3A, %dma_wait3A_340] : memref<2x128x128xbf16, #tpu.memory_space<vmem>> -> memref<1x128x128xbf16, #tpu.memory_space<vmem>>
      %dma_wait3A_342 = tpu.memref_squeeze %dma_wait3A_341 : memref<1x128x128xbf16, #tpu.memory_space<vmem>> -> memref<128x128xbf16, #tpu.memory_space<vmem>>
      %dma_wait3A_343 = arith.constant 0 : i32
      %dma_wait3A_344 = tpu.memref_slice %arg12[%add3A_16, %dma_wait3A_343] : memref<10240x128xbf16, #tpu.memory_space<vmem_shared>> -> memref<128x128xbf16, #tpu.memory_space<vmem_shared>>
      %dma_wait3A_345 = arith.constant 0 : i32
      %dma_wait3A_346 = tpu.memref_slice %arg12[%add3A_16, %dma_wait3A_345] : memref<10240x128xbf16, #tpu.memory_space<vmem_shared>> -> memref<128x128xbf16, #tpu.memory_space<vmem_shared>>
      %dma_wait3A_347 = arith.constant 0 : i32
      %dma_wait3A_348 = arith.constant 0 : i32
      %dma_wait3A_349 = tpu.memref_slice %arg9[%run_scoped3A_17, %dma_wait3A_347, %dma_wait3A_348] : memref<2x128x128xbf16, #tpu.memory_space<vmem>> -> memref<1x128x128xbf16, #tpu.memory_space<vmem>>
      %dma_wait3A_350 = tpu.memref_squeeze %dma_wait3A_349 : memref<1x128x128xbf16, #tpu.memory_space<vmem>> -> memref<128x128xbf16, #tpu.memory_space<vmem>>
      tpu.wait_dma2 semaphore(%run_scoped3A_327 : memref<!tpu.dma_semaphore, #tpu.memory_space<semaphore_mem>>) src(%dma_wait3A_350 : memref<128x128xbf16, #tpu.memory_space<vmem>>) dst(%dma_wait3A_346 : memref<128x128xbf16, #tpu.memory_space<vmem_shared>>)
      tpu.yield
    }) : () -> ()
    %add3A_18 = arith.constant 512 : i32
    %add3A_19 = arith.addi %mul3A_2, %add3A_18 : i32
    %run_scoped3A_20 = arith.constant 0 : i32
    "tpu.region"() ({
      %run_scoped3A_327 = tpu.sem_alloc : memref<!tpu.dma_semaphore, #tpu.memory_space<semaphore_mem>>
      %dma_start3A_328 = arith.constant 0 : i32
      %dma_start3A_329 = arith.constant 0 : i32
      %dma_start3A_330 = tpu.memref_slice %arg9[%run_scoped3A_20, %dma_start3A_328, %dma_start3A_329] : memref<2x128x128xbf16, #tpu.memory_space<vmem>> -> memref<1x128x128xbf16, #tpu.memory_space<vmem>>
      %dma_start3A_331 = tpu.memref_squeeze %dma_start3A_330 : memref<1x128x128xbf16, #tpu.memory_space<vmem>> -> memref<128x128xbf16, #tpu.memory_space<vmem>>
      %dma_start3A_332 = arith.constant 0 : i32
      %dma_start3A_333 = tpu.memref_slice %arg12[%add3A_19, %dma_start3A_332] : memref<10240x128xbf16, #tpu.memory_space<vmem_shared>> -> memref<128x128xbf16, #tpu.memory_space<vmem_shared>>
      %dma_start3A_334 = arith.constant 0 : i32
      %dma_start3A_335 = tpu.memref_slice %arg12[%add3A_19, %dma_start3A_334] : memref<10240x128xbf16, #tpu.memory_space<vmem_shared>> -> memref<128x128xbf16, #tpu.memory_space<vmem_shared>>
      %dma_start3A_336 = arith.constant 0 : i32
      %dma_start3A_337 = arith.constant 0 : i32
      %dma_start3A_338 = tpu.memref_slice %arg9[%run_scoped3A_20, %dma_start3A_336, %dma_start3A_337] : memref<2x128x128xbf16, #tpu.memory_space<vmem>> -> memref<1x128x128xbf16, #tpu.memory_space<vmem>>
      %dma_start3A_339 = tpu.memref_squeeze %dma_start3A_338 : memref<1x128x128xbf16, #tpu.memory_space<vmem>> -> memref<128x128xbf16, #tpu.memory_space<vmem>>
      tpu.enqueue_dma source(%dma_start3A_339 : memref<128x128xbf16, #tpu.memory_space<vmem>>) target(%dma_start3A_335 : memref<128x128xbf16, #tpu.memory_space<vmem_shared>>) target_semaphore(%run_scoped3A_327 : memref<!tpu.dma_semaphore, #tpu.memory_space<semaphore_mem>>)
      %dma_wait3A = arith.constant 0 : i32
      %dma_wait3A_340 = arith.constant 0 : i32
      %dma_wait3A_341 = tpu.memref_slice %arg9[%run_scoped3A_20, %dma_wait3A, %dma_wait3A_340] : memref<2x128x128xbf16, #tpu.memory_space<vmem>> -> memref<1x128x128xbf16, #tpu.memory_space<vmem>>
      %dma_wait3A_342 = tpu.memref_squeeze %dma_wait3A_341 : memref<1x128x128xbf16, #tpu.memory_space<vmem>> -> memref<128x128xbf16, #tpu.memory_space<vmem>>
      %dma_wait3A_343 = arith.constant 0 : i32
      %dma_wait3A_344 = tpu.memref_slice %arg12[%add3A_19, %dma_wait3A_343] : memref<10240x128xbf16, #tpu.memory_space<vmem_shared>> -> memref<128x128xbf16, #tpu.memory_space<vmem_shared>>
      %dma_wait3A_345 = arith.constant 0 : i32
      %dma_wait3A_346 = tpu.memref_slice %arg12[%add3A_19, %dma_wait3A_345] : memref<10240x128xbf16, #tpu.memory_space<vmem_shared>> -> memref<128x128xbf16, #tpu.memory_space<vmem_shared>>
      %dma_wait3A_347 = arith.constant 0 : i32
      %dma_wait3A_348 = arith.constant 0 : i32
      %dma_wait3A_349 = tpu.memref_slice %arg9[%run_scoped3A_20, %dma_wait3A_347, %dma_wait3A_348] : memref<2x128x128xbf16, #tpu.memory_space<vmem>> -> memref<1x128x128xbf16, #tpu.memory_space<vmem>>
      %dma_wait3A_350 = tpu.memref_squeeze %dma_wait3A_349 : memref<1x128x128xbf16, #tpu.memory_space<vmem>> -> memref<128x128xbf16, #tpu.memory_space<vmem>>
      tpu.wait_dma2 semaphore(%run_scoped3A_327 : memref<!tpu.dma_semaphore, #tpu.memory_space<semaphore_mem>>) src(%dma_wait3A_350 : memref<128x128xbf16, #tpu.memory_space<vmem>>) dst(%dma_wait3A_346 : memref<128x128xbf16, #tpu.memory_space<vmem_shared>>)
      tpu.yield
    }) : () -> ()
    %broadcast_in_dim3A = arith.constant 0.000000e+00 : f32
    %broadcast_in_dim3A_21 = vector.broadcast %broadcast_in_dim3A : f32 to vector<16xf32>
    %swap3A = arith.constant 0 : index
    %swap3A_22 = tpu.vector_load %arg11[%swap3A] {strides = array<i32>} : memref<640xf32, #tpu.memory_space<vmem>>, vector<16xf32>,
    %swap3A_23 = vector.shape_cast %swap3A_22 : vector<16xf32> to vector<16xf32>
    %swap3A_24 = vector.shape_cast %broadcast_in_dim3A_21 : vector<16xf32> to vector<16xf32>
    tpu.vector_store %arg11[%swap3A], %swap3A_24 {strides = array<i32>} : memref<640xf32, #tpu.memory_space<vmem>>, vector<16xf32>,
    %broadcast_in_dim3A_25 = arith.constant 0.000000e+00 : f32
    %broadcast_in_dim3A_26 = vector.broadcast %broadcast_in_dim3A_25 : f32 to vector<16xf32>
    %swap3A_27 = arith.constant 16 : index
    %swap3A_28 = tpu.vector_load %arg11[%swap3A_27] {strides = array<i32>} : memref<640xf32, #tpu.memory_space<vmem>>, vector<16xf32>,
    %swap3A_29 = vector.shape_cast %swap3A_28 : vector<16xf32> to vector<16xf32>
    %swap3A_30 = vector.shape_cast %broadcast_in_dim3A_26 : vector<16xf32> to vector<16xf32>
    tpu.vector_store %arg11[%swap3A_27], %swap3A_30 {strides = array<i32>} : memref<640xf32, #tpu.memory_space<vmem>>, vector<16xf32>,
    %broadcast_in_dim3A_31 = arith.constant 0.000000e+00 : f32
    %broadcast_in_dim3A_32 = vector.broadcast %broadcast_in_dim3A_31 : f32 to vector<16xf32>
    %swap3A_33 = arith.constant 32 : index
    %swap3A_34 = tpu.vector_load %arg11[%swap3A_33] {strides = array<i32>} : memref<640xf32, #tpu.memory_space<vmem>>, vector<16xf32>,
    %swap3A_35 = vector.shape_cast %swap3A_34 : vector<16xf32> to vector<16xf32>
    %swap3A_36 = vector.shape_cast %broadcast_in_dim3A_32 : vector<16xf32> to vector<16xf32>
    tpu.vector_store %arg11[%swap3A_33], %swap3A_36 {strides = array<i32>} : memref<640xf32, #tpu.memory_space<vmem>>, vector<16xf32>,
    %broadcast_in_dim3A_37 = arith.constant 0.000000e+00 : f32
    %broadcast_in_dim3A_38 = vector.broadcast %broadcast_in_dim3A_37 : f32 to vector<16xf32>
    %swap3A_39 = arith.constant 48 : index
    %swap3A_40 = tpu.vector_load %arg11[%swap3A_39] {strides = array<i32>} : memref<640xf32, #tpu.memory_space<vmem>>, vector<16xf32>,
    %swap3A_41 = vector.shape_cast %swap3A_40 : vector<16xf32> to vector<16xf32>
    %swap3A_42 = vector.shape_cast %broadcast_in_dim3A_38 : vector<16xf32> to vector<16xf32>
    tpu.vector_store %arg11[%swap3A_39], %swap3A_42 {strides = array<i32>} : memref<640xf32, #tpu.memory_space<vmem>>, vector<16xf32>,
    %broadcast_in_dim3A_43 = arith.constant 0.000000e+00 : f32
    %broadcast_in_dim3A_44 = vector.broadcast %broadcast_in_dim3A_43 : f32 to vector<16xf32>
    %swap3A_45 = arith.constant 64 : index
    %swap3A_46 = tpu.vector_load %arg11[%swap3A_45] {strides = array<i32>} : memref<640xf32, #tpu.memory_space<vmem>>, vector<16xf32>,
    %swap3A_47 = vector.shape_cast %swap3A_46 : vector<16xf32> to vector<16xf32>
    %swap3A_48 = vector.shape_cast %broadcast_in_dim3A_44 : vector<16xf32> to vector<16xf32>
    tpu.vector_store %arg11[%swap3A_45], %swap3A_48 {strides = array<i32>} : memref<640xf32, #tpu.memory_space<vmem>>, vector<16xf32>,
    %broadcast_in_dim3A_49 = arith.constant 0.000000e+00 : f32
    %broadcast_in_dim3A_50 = vector.broadcast %broadcast_in_dim3A_49 : f32 to vector<16xf32>
    %swap3A_51 = arith.constant 80 : index
    %swap3A_52 = tpu.vector_load %arg11[%swap3A_51] {strides = array<i32>} : memref<640xf32, #tpu.memory_space<vmem>>, vector<16xf32>,
    %swap3A_53 = vector.shape_cast %swap3A_52 : vector<16xf32> to vector<16xf32>
    %swap3A_54 = vector.shape_cast %broadcast_in_dim3A_50 : vector<16xf32> to vector<16xf32>
    tpu.vector_store %arg11[%swap3A_51], %swap3A_54 {strides = array<i32>} : memref<640xf32, #tpu.memory_space<vmem>>, vector<16xf32>,
    %broadcast_in_dim3A_55 = arith.constant 0.000000e+00 : f32
    %broadcast_in_dim3A_56 = vector.broadcast %broadcast_in_dim3A_55 : f32 to vector<16xf32>
    %swap3A_57 = arith.constant 96 : index
    %swap3A_58 = tpu.vector_load %arg11[%swap3A_57] {strides = array<i32>} : memref<640xf32, #tpu.memory_space<vmem>>, vector<16xf32>,
    %swap3A_59 = vector.shape_cast %swap3A_58 : vector<16xf32> to vector<16xf32>
    %swap3A_60 = vector.shape_cast %broadcast_in_dim3A_56 : vector<16xf32> to vector<16xf32>
    tpu.vector_store %arg11[%swap3A_57], %swap3A_60 {strides = array<i32>} : memref<640xf32, #tpu.memory_space<vmem>>, vector<16xf32>,
    %broadcast_in_dim3A_61 = arith.constant 0.000000e+00 : f32
    %broadcast_in_dim3A_62 = vector.broadcast %broadcast_in_dim3A_61 : f32 to vector<16xf32>
    %swap3A_63 = arith.constant 112 : index
    %swap3A_64 = tpu.vector_load %arg11[%swap3A_63] {strides = array<i32>} : memref<640xf32, #tpu.memory_space<vmem>>, vector<16xf32>,
    %swap3A_65 = vector.shape_cast %swap3A_64 : vector<16xf32> to vector<16xf32>
    %swap3A_66 = vector.shape_cast %broadcast_in_dim3A_62 : vector<16xf32> to vector<16xf32>
    tpu.vector_store %arg11[%swap3A_63], %swap3A_66 {strides = array<i32>} : memref<640xf32, #tpu.memory_space<vmem>>, vector<16xf32>,
    %broadcast_in_dim3A_67 = arith.constant 0.000000e+00 : f32
    %broadcast_in_dim3A_68 = vector.broadcast %broadcast_in_dim3A_67 : f32 to vector<16xf32>
    %swap3A_69 = arith.constant 128 : index
    %swap3A_70 = tpu.vector_load %arg11[%swap3A_69] {strides = array<i32>} : memref<640xf32, #tpu.memory_space<vmem>>, vector<16xf32>,
    %swap3A_71 = vector.shape_cast %swap3A_70 : vector<16xf32> to vector<16xf32>
    %swap3A_72 = vector.shape_cast %broadcast_in_dim3A_68 : vector<16xf32> to vector<16xf32>
    tpu.vector_store %arg11[%swap3A_69], %swap3A_72 {strides = array<i32>} : memref<640xf32, #tpu.memory_space<vmem>>, vector<16xf32>,
    %broadcast_in_dim3A_73 = arith.constant 0.000000e+00 : f32
    %broadcast_in_dim3A_74 = vector.broadcast %broadcast_in_dim3A_73 : f32 to vector<16xf32>
    %swap3A_75 = arith.constant 144 : index
    %swap3A_76 = tpu.vector_load %arg11[%swap3A_75] {strides = array<i32>} : memref<640xf32, #tpu.memory_space<vmem>>, vector<16xf32>,
    %swap3A_77 = vector.shape_cast %swap3A_76 : vector<16xf32> to vector<16xf32>
    %swap3A_78 = vector.shape_cast %broadcast_in_dim3A_74 : vector<16xf32> to vector<16xf32>
    tpu.vector_store %arg11[%swap3A_75], %swap3A_78 {strides = array<i32>} : memref<640xf32, #tpu.memory_space<vmem>>, vector<16xf32>,
    %broadcast_in_dim3A_79 = arith.constant 0.000000e+00 : f32
    %broadcast_in_dim3A_80 = vector.broadcast %broadcast_in_dim3A_79 : f32 to vector<16xf32>
    %swap3A_81 = arith.constant 160 : index
    %swap3A_82 = tpu.vector_load %arg11[%swap3A_81] {strides = array<i32>} : memref<640xf32, #tpu.memory_space<vmem>>, vector<16xf32>,
    %swap3A_83 = vector.shape_cast %swap3A_82 : vector<16xf32> to vector<16xf32>
    %swap3A_84 = vector.shape_cast %broadcast_in_dim3A_80 : vector<16xf32> to vector<16xf32>
    tpu.vector_store %arg11[%swap3A_81], %swap3A_84 {strides = array<i32>} : memref<640xf32, #tpu.memory_space<vmem>>, vector<16xf32>,
    %broadcast_in_dim3A_85 = arith.constant 0.000000e+00 : f32
    %broadcast_in_dim3A_86 = vector.broadcast %broadcast_in_dim3A_85 : f32 to vector<16xf32>
    %swap3A_87 = arith.constant 176 : index
    %swap3A_88 = tpu.vector_load %arg11[%swap3A_87] {strides = array<i32>} : memref<640xf32, #tpu.memory_space<vmem>>, vector<16xf32>,
    %swap3A_89 = vector.shape_cast %swap3A_88 : vector<16xf32> to vector<16xf32>
    %swap3A_90 = vector.shape_cast %broadcast_in_dim3A_86 : vector<16xf32> to vector<16xf32>
    tpu.vector_store %arg11[%swap3A_87], %swap3A_90 {strides = array<i32>} : memref<640xf32, #tpu.memory_space<vmem>>, vector<16xf32>,
    %broadcast_in_dim3A_91 = arith.constant 0.000000e+00 : f32
    %broadcast_in_dim3A_92 = vector.broadcast %broadcast_in_dim3A_91 : f32 to vector<16xf32>
    %swap3A_93 = arith.constant 192 : index
    %swap3A_94 = tpu.vector_load %arg11[%swap3A_93] {strides = array<i32>} : memref<640xf32, #tpu.memory_space<vmem>>, vector<16xf32>,
    %swap3A_95 = vector.shape_cast %swap3A_94 : vector<16xf32> to vector<16xf32>
    %swap3A_96 = vector.shape_cast %broadcast_in_dim3A_92 : vector<16xf32> to vector<16xf32>
    tpu.vector_store %arg11[%swap3A_93], %swap3A_96 {strides = array<i32>} : memref<640xf32, #tpu.memory_space<vmem>>, vector<16xf32>,
    %broadcast_in_dim3A_97 = arith.constant 0.000000e+00 : f32
    %broadcast_in_dim3A_98 = vector.broadcast %broadcast_in_dim3A_97 : f32 to vector<16xf32>
    %swap3A_99 = arith.constant 208 : index
    %swap3A_100 = tpu.vector_load %arg11[%swap3A_99] {strides = array<i32>} : memref<640xf32, #tpu.memory_space<vmem>>, vector<16xf32>,
    %swap3A_101 = vector.shape_cast %swap3A_100 : vector<16xf32> to vector<16xf32>
    %swap3A_102 = vector.shape_cast %broadcast_in_dim3A_98 : vector<16xf32> to vector<16xf32>
    tpu.vector_store %arg11[%swap3A_99], %swap3A_102 {strides = array<i32>} : memref<640xf32, #tpu.memory_space<vmem>>, vector<16xf32>,
    %broadcast_in_dim3A_103 = arith.constant 0.000000e+00 : f32
    %broadcast_in_dim3A_104 = vector.broadcast %broadcast_in_dim3A_103 : f32 to vector<16xf32>
    %swap3A_105 = arith.constant 224 : index
    %swap3A_106 = tpu.vector_load %arg11[%swap3A_105] {strides = array<i32>} : memref<640xf32, #tpu.memory_space<vmem>>, vector<16xf32>,
    %swap3A_107 = vector.shape_cast %swap3A_106 : vector<16xf32> to vector<16xf32>
    %swap3A_108 = vector.shape_cast %broadcast_in_dim3A_104 : vector<16xf32> to vector<16xf32>
    tpu.vector_store %arg11[%swap3A_105], %swap3A_108 {strides = array<i32>} : memref<640xf32, #tpu.memory_space<vmem>>, vector<16xf32>,
    %broadcast_in_dim3A_109 = arith.constant 0.000000e+00 : f32
    %broadcast_in_dim3A_110 = vector.broadcast %broadcast_in_dim3A_109 : f32 to vector<16xf32>
    %swap3A_111 = arith.constant 240 : index
    %swap3A_112 = tpu.vector_load %arg11[%swap3A_111] {strides = array<i32>} : memref<640xf32, #tpu.memory_space<vmem>>, vector<16xf32>,
    %swap3A_113 = vector.shape_cast %swap3A_112 : vector<16xf32> to vector<16xf32>
    %swap3A_114 = vector.shape_cast %broadcast_in_dim3A_110 : vector<16xf32> to vector<16xf32>
    tpu.vector_store %arg11[%swap3A_111], %swap3A_114 {strides = array<i32>} : memref<640xf32, #tpu.memory_space<vmem>>, vector<16xf32>,
    %broadcast_in_dim3A_115 = arith.constant 0.000000e+00 : f32
    %broadcast_in_dim3A_116 = vector.broadcast %broadcast_in_dim3A_115 : f32 to vector<16xf32>
    %swap3A_117 = arith.constant 256 : index
    %swap3A_118 = tpu.vector_load %arg11[%swap3A_117] {strides = array<i32>} : memref<640xf32, #tpu.memory_space<vmem>>, vector<16xf32>,
    %swap3A_119 = vector.shape_cast %swap3A_118 : vector<16xf32> to vector<16xf32>
    %swap3A_120 = vector.shape_cast %broadcast_in_dim3A_116 : vector<16xf32> to vector<16xf32>
    tpu.vector_store %arg11[%swap3A_117], %swap3A_120 {strides = array<i32>} : memref<640xf32, #tpu.memory_space<vmem>>, vector<16xf32>,
    %broadcast_in_dim3A_121 = arith.constant 0.000000e+00 : f32
    %broadcast_in_dim3A_122 = vector.broadcast %broadcast_in_dim3A_121 : f32 to vector<16xf32>
    %swap3A_123 = arith.constant 272 : index
    %swap3A_124 = tpu.vector_load %arg11[%swap3A_123] {strides = array<i32>} : memref<640xf32, #tpu.memory_space<vmem>>, vector<16xf32>,
    %swap3A_125 = vector.shape_cast %swap3A_124 : vector<16xf32> to vector<16xf32>
    %swap3A_126 = vector.shape_cast %broadcast_in_dim3A_122 : vector<16xf32> to vector<16xf32>
    tpu.vector_store %arg11[%swap3A_123], %swap3A_126 {strides = array<i32>} : memref<640xf32, #tpu.memory_space<vmem>>, vector<16xf32>,
    %broadcast_in_dim3A_127 = arith.constant 0.000000e+00 : f32
    %broadcast_in_dim3A_128 = vector.broadcast %broadcast_in_dim3A_127 : f32 to vector<16xf32>
    %swap3A_129 = arith.constant 288 : index
    %swap3A_130 = tpu.vector_load %arg11[%swap3A_129] {strides = array<i32>} : memref<640xf32, #tpu.memory_space<vmem>>, vector<16xf32>,
    %swap3A_131 = vector.shape_cast %swap3A_130 : vector<16xf32> to vector<16xf32>
    %swap3A_132 = vector.shape_cast %broadcast_in_dim3A_128 : vector<16xf32> to vector<16xf32>
    tpu.vector_store %arg11[%swap3A_129], %swap3A_132 {strides = array<i32>} : memref<640xf32, #tpu.memory_space<vmem>>, vector<16xf32>,
    %broadcast_in_dim3A_133 = arith.constant 0.000000e+00 : f32
    %broadcast_in_dim3A_134 = vector.broadcast %broadcast_in_dim3A_133 : f32 to vector<16xf32>
    %swap3A_135 = arith.constant 304 : index
    %swap3A_136 = tpu.vector_load %arg11[%swap3A_135] {strides = array<i32>} : memref<640xf32, #tpu.memory_space<vmem>>, vector<16xf32>,
    %swap3A_137 = vector.shape_cast %swap3A_136 : vector<16xf32> to vector<16xf32>
    %swap3A_138 = vector.shape_cast %broadcast_in_dim3A_134 : vector<16xf32> to vector<16xf32>
    tpu.vector_store %arg11[%swap3A_135], %swap3A_138 {strides = array<i32>} : memref<640xf32, #tpu.memory_space<vmem>>, vector<16xf32>,
    %broadcast_in_dim3A_139 = arith.constant 0.000000e+00 : f32
    %broadcast_in_dim3A_140 = vector.broadcast %broadcast_in_dim3A_139 : f32 to vector<16xf32>
    %swap3A_141 = arith.constant 320 : index
    %swap3A_142 = tpu.vector_load %arg11[%swap3A_141] {strides = array<i32>} : memref<640xf32, #tpu.memory_space<vmem>>, vector<16xf32>,
    %swap3A_143 = vector.shape_cast %swap3A_142 : vector<16xf32> to vector<16xf32>
    %swap3A_144 = vector.shape_cast %broadcast_in_dim3A_140 : vector<16xf32> to vector<16xf32>
    tpu.vector_store %arg11[%swap3A_141], %swap3A_144 {strides = array<i32>} : memref<640xf32, #tpu.memory_space<vmem>>, vector<16xf32>,
    %broadcast_in_dim3A_145 = arith.constant 0.000000e+00 : f32
    %broadcast_in_dim3A_146 = vector.broadcast %broadcast_in_dim3A_145 : f32 to vector<16xf32>
    %swap3A_147 = arith.constant 336 : index
    %swap3A_148 = tpu.vector_load %arg11[%swap3A_147] {strides = array<i32>} : memref<640xf32, #tpu.memory_space<vmem>>, vector<16xf32>,
    %swap3A_149 = vector.shape_cast %swap3A_148 : vector<16xf32> to vector<16xf32>
    %swap3A_150 = vector.shape_cast %broadcast_in_dim3A_146 : vector<16xf32> to vector<16xf32>
    tpu.vector_store %arg11[%swap3A_147], %swap3A_150 {strides = array<i32>} : memref<640xf32, #tpu.memory_space<vmem>>, vector<16xf32>,
    %broadcast_in_dim3A_151 = arith.constant 0.000000e+00 : f32
    %broadcast_in_dim3A_152 = vector.broadcast %broadcast_in_dim3A_151 : f32 to vector<16xf32>
    %swap3A_153 = arith.constant 352 : index
    %swap3A_154 = tpu.vector_load %arg11[%swap3A_153] {strides = array<i32>} : memref<640xf32, #tpu.memory_space<vmem>>, vector<16xf32>,
    %swap3A_155 = vector.shape_cast %swap3A_154 : vector<16xf32> to vector<16xf32>
    %swap3A_156 = vector.shape_cast %broadcast_in_dim3A_152 : vector<16xf32> to vector<16xf32>
    tpu.vector_store %arg11[%swap3A_153], %swap3A_156 {strides = array<i32>} : memref<640xf32, #tpu.memory_space<vmem>>, vector<16xf32>,
    %broadcast_in_dim3A_157 = arith.constant 0.000000e+00 : f32
    %broadcast_in_dim3A_158 = vector.broadcast %broadcast_in_dim3A_157 : f32 to vector<16xf32>
    %swap3A_159 = arith.constant 368 : index
    %swap3A_160 = tpu.vector_load %arg11[%swap3A_159] {strides = array<i32>} : memref<640xf32, #tpu.memory_space<vmem>>, vector<16xf32>,
    %swap3A_161 = vector.shape_cast %swap3A_160 : vector<16xf32> to vector<16xf32>
    %swap3A_162 = vector.shape_cast %broadcast_in_dim3A_158 : vector<16xf32> to vector<16xf32>
    tpu.vector_store %arg11[%swap3A_159], %swap3A_162 {strides = array<i32>} : memref<640xf32, #tpu.memory_space<vmem>>, vector<16xf32>,
    %broadcast_in_dim3A_163 = arith.constant 0.000000e+00 : f32
    %broadcast_in_dim3A_164 = vector.broadcast %broadcast_in_dim3A_163 : f32 to vector<16xf32>
    %swap3A_165 = arith.constant 384 : index
    %swap3A_166 = tpu.vector_load %arg11[%swap3A_165] {strides = array<i32>} : memref<640xf32, #tpu.memory_space<vmem>>, vector<16xf32>,
    %swap3A_167 = vector.shape_cast %swap3A_166 : vector<16xf32> to vector<16xf32>
    %swap3A_168 = vector.shape_cast %broadcast_in_dim3A_164 : vector<16xf32> to vector<16xf32>
    tpu.vector_store %arg11[%swap3A_165], %swap3A_168 {strides = array<i32>} : memref<640xf32, #tpu.memory_space<vmem>>, vector<16xf32>,
    %broadcast_in_dim3A_169 = arith.constant 0.000000e+00 : f32
    %broadcast_in_dim3A_170 = vector.broadcast %broadcast_in_dim3A_169 : f32 to vector<16xf32>
    %swap3A_171 = arith.constant 400 : index
    %swap3A_172 = tpu.vector_load %arg11[%swap3A_171] {strides = array<i32>} : memref<640xf32, #tpu.memory_space<vmem>>, vector<16xf32>,
    %swap3A_173 = vector.shape_cast %swap3A_172 : vector<16xf32> to vector<16xf32>
    %swap3A_174 = vector.shape_cast %broadcast_in_dim3A_170 : vector<16xf32> to vector<16xf32>
    tpu.vector_store %arg11[%swap3A_171], %swap3A_174 {strides = array<i32>} : memref<640xf32, #tpu.memory_space<vmem>>, vector<16xf32>,
    %broadcast_in_dim3A_175 = arith.constant 0.000000e+00 : f32
    %broadcast_in_dim3A_176 = vector.broadcast %broadcast_in_dim3A_175 : f32 to vector<16xf32>
    %swap3A_177 = arith.constant 416 : index
    %swap3A_178 = tpu.vector_load %arg11[%swap3A_177] {strides = array<i32>} : memref<640xf32, #tpu.memory_space<vmem>>, vector<16xf32>,
    %swap3A_179 = vector.shape_cast %swap3A_178 : vector<16xf32> to vector<16xf32>
    %swap3A_180 = vector.shape_cast %broadcast_in_dim3A_176 : vector<16xf32> to vector<16xf32>
    tpu.vector_store %arg11[%swap3A_177], %swap3A_180 {strides = array<i32>} : memref<640xf32, #tpu.memory_space<vmem>>, vector<16xf32>,
    %broadcast_in_dim3A_181 = arith.constant 0.000000e+00 : f32
    %broadcast_in_dim3A_182 = vector.broadcast %broadcast_in_dim3A_181 : f32 to vector<16xf32>
    %swap3A_183 = arith.constant 432 : index
    %swap3A_184 = tpu.vector_load %arg11[%swap3A_183] {strides = array<i32>} : memref<640xf32, #tpu.memory_space<vmem>>, vector<16xf32>,
    %swap3A_185 = vector.shape_cast %swap3A_184 : vector<16xf32> to vector<16xf32>
    %swap3A_186 = vector.shape_cast %broadcast_in_dim3A_182 : vector<16xf32> to vector<16xf32>
    tpu.vector_store %arg11[%swap3A_183], %swap3A_186 {strides = array<i32>} : memref<640xf32, #tpu.memory_space<vmem>>, vector<16xf32>,
    %broadcast_in_dim3A_187 = arith.constant 0.000000e+00 : f32
    %broadcast_in_dim3A_188 = vector.broadcast %broadcast_in_dim3A_187 : f32 to vector<16xf32>
    %swap3A_189 = arith.constant 448 : index
    %swap3A_190 = tpu.vector_load %arg11[%swap3A_189] {strides = array<i32>} : memref<640xf32, #tpu.memory_space<vmem>>, vector<16xf32>,
    %swap3A_191 = vector.shape_cast %swap3A_190 : vector<16xf32> to vector<16xf32>
    %swap3A_192 = vector.shape_cast %broadcast_in_dim3A_188 : vector<16xf32> to vector<16xf32>
    tpu.vector_store %arg11[%swap3A_189], %swap3A_192 {strides = array<i32>} : memref<640xf32, #tpu.memory_space<vmem>>, vector<16xf32>,
    %broadcast_in_dim3A_193 = arith.constant 0.000000e+00 : f32
    %broadcast_in_dim3A_194 = vector.broadcast %broadcast_in_dim3A_193 : f32 to vector<16xf32>
    %swap3A_195 = arith.constant 464 : index
    %swap3A_196 = tpu.vector_load %arg11[%swap3A_195] {strides = array<i32>} : memref<640xf32, #tpu.memory_space<vmem>>, vector<16xf32>,
    %swap3A_197 = vector.shape_cast %swap3A_196 : vector<16xf32> to vector<16xf32>
    %swap3A_198 = vector.shape_cast %broadcast_in_dim3A_194 : vector<16xf32> to vector<16xf32>
    tpu.vector_store %arg11[%swap3A_195], %swap3A_198 {strides = array<i32>} : memref<640xf32, #tpu.memory_space<vmem>>, vector<16xf32>,
    %broadcast_in_dim3A_199 = arith.constant 0.000000e+00 : f32
    %broadcast_in_dim3A_200 = vector.broadcast %broadcast_in_dim3A_199 : f32 to vector<16xf32>
    %swap3A_201 = arith.constant 480 : index
    %swap3A_202 = tpu.vector_load %arg11[%swap3A_201] {strides = array<i32>} : memref<640xf32, #tpu.memory_space<vmem>>, vector<16xf32>,
    %swap3A_203 = vector.shape_cast %swap3A_202 : vector<16xf32> to vector<16xf32>
    %swap3A_204 = vector.shape_cast %broadcast_in_dim3A_200 : vector<16xf32> to vector<16xf32>
    tpu.vector_store %arg11[%swap3A_201], %swap3A_204 {strides = array<i32>} : memref<640xf32, #tpu.memory_space<vmem>>, vector<16xf32>,
    %broadcast_in_dim3A_205 = arith.constant 0.000000e+00 : f32
    %broadcast_in_dim3A_206 = vector.broadcast %broadcast_in_dim3A_205 : f32 to vector<16xf32>
    %swap3A_207 = arith.constant 496 : index
    %swap3A_208 = tpu.vector_load %arg11[%swap3A_207] {strides = array<i32>} : memref<640xf32, #tpu.memory_space<vmem>>, vector<16xf32>,
    %swap3A_209 = vector.shape_cast %swap3A_208 : vector<16xf32> to vector<16xf32>
    %swap3A_210 = vector.shape_cast %broadcast_in_dim3A_206 : vector<16xf32> to vector<16xf32>
    tpu.vector_store %arg11[%swap3A_207], %swap3A_210 {strides = array<i32>} : memref<640xf32, #tpu.memory_space<vmem>>, vector<16xf32>,
    %broadcast_in_dim3A_211 = arith.constant 0.000000e+00 : f32
    %broadcast_in_dim3A_212 = vector.broadcast %broadcast_in_dim3A_211 : f32 to vector<16xf32>
    %swap3A_213 = arith.constant 512 : index
    %swap3A_214 = tpu.vector_load %arg11[%swap3A_213] {strides = array<i32>} : memref<640xf32, #tpu.memory_space<vmem>>, vector<16xf32>,
    %swap3A_215 = vector.shape_cast %swap3A_214 : vector<16xf32> to vector<16xf32>
    %swap3A_216 = vector.shape_cast %broadcast_in_dim3A_212 : vector<16xf32> to vector<16xf32>
    tpu.vector_store %arg11[%swap3A_213], %swap3A_216 {strides = array<i32>} : memref<640xf32, #tpu.memory_space<vmem>>, vector<16xf32>,
    %broadcast_in_dim3A_217 = arith.constant 0.000000e+00 : f32
    %broadcast_in_dim3A_218 = vector.broadcast %broadcast_in_dim3A_217 : f32 to vector<16xf32>
    %swap3A_219 = arith.constant 528 : index
    %swap3A_220 = tpu.vector_load %arg11[%swap3A_219] {strides = array<i32>} : memref<640xf32, #tpu.memory_space<vmem>>, vector<16xf32>,
    %swap3A_221 = vector.shape_cast %swap3A_220 : vector<16xf32> to vector<16xf32>
    %swap3A_222 = vector.shape_cast %broadcast_in_dim3A_218 : vector<16xf32> to vector<16xf32>
    tpu.vector_store %arg11[%swap3A_219], %swap3A_222 {strides = array<i32>} : memref<640xf32, #tpu.memory_space<vmem>>, vector<16xf32>,
    %broadcast_in_dim3A_223 = arith.constant 0.000000e+00 : f32
    %broadcast_in_dim3A_224 = vector.broadcast %broadcast_in_dim3A_223 : f32 to vector<16xf32>
    %swap3A_225 = arith.constant 544 : index
    %swap3A_226 = tpu.vector_load %arg11[%swap3A_225] {strides = array<i32>} : memref<640xf32, #tpu.memory_space<vmem>>, vector<16xf32>,
    %swap3A_227 = vector.shape_cast %swap3A_226 : vector<16xf32> to vector<16xf32>
    %swap3A_228 = vector.shape_cast %broadcast_in_dim3A_224 : vector<16xf32> to vector<16xf32>
    tpu.vector_store %arg11[%swap3A_225], %swap3A_228 {strides = array<i32>} : memref<640xf32, #tpu.memory_space<vmem>>, vector<16xf32>,
    %broadcast_in_dim3A_229 = arith.constant 0.000000e+00 : f32
    %broadcast_in_dim3A_230 = vector.broadcast %broadcast_in_dim3A_229 : f32 to vector<16xf32>
    %swap3A_231 = arith.constant 560 : index
    %swap3A_232 = tpu.vector_load %arg11[%swap3A_231] {strides = array<i32>} : memref<640xf32, #tpu.memory_space<vmem>>, vector<16xf32>,
    %swap3A_233 = vector.shape_cast %swap3A_232 : vector<16xf32> to vector<16xf32>
    %swap3A_234 = vector.shape_cast %broadcast_in_dim3A_230 : vector<16xf32> to vector<16xf32>
    tpu.vector_store %arg11[%swap3A_231], %swap3A_234 {strides = array<i32>} : memref<640xf32, #tpu.memory_space<vmem>>, vector<16xf32>,
    %broadcast_in_dim3A_235 = arith.constant 0.000000e+00 : f32
    %broadcast_in_dim3A_236 = vector.broadcast %broadcast_in_dim3A_235 : f32 to vector<16xf32>
    %swap3A_237 = arith.constant 576 : index
    %swap3A_238 = tpu.vector_load %arg11[%swap3A_237] {strides = array<i32>} : memref<640xf32, #tpu.memory_space<vmem>>, vector<16xf32>,
    %swap3A_239 = vector.shape_cast %swap3A_238 : vector<16xf32> to vector<16xf32>
    %swap3A_240 = vector.shape_cast %broadcast_in_dim3A_236 : vector<16xf32> to vector<16xf32>
    tpu.vector_store %arg11[%swap3A_237], %swap3A_240 {strides = array<i32>} : memref<640xf32, #tpu.memory_space<vmem>>, vector<16xf32>,
    %broadcast_in_dim3A_241 = arith.constant 0.000000e+00 : f32
    %broadcast_in_dim3A_242 = vector.broadcast %broadcast_in_dim3A_241 : f32 to vector<16xf32>
    %swap3A_243 = arith.constant 592 : index
    %swap3A_244 = tpu.vector_load %arg11[%swap3A_243] {strides = array<i32>} : memref<640xf32, #tpu.memory_space<vmem>>, vector<16xf32>,
    %swap3A_245 = vector.shape_cast %swap3A_244 : vector<16xf32> to vector<16xf32>
    %swap3A_246 = vector.shape_cast %broadcast_in_dim3A_242 : vector<16xf32> to vector<16xf32>
    tpu.vector_store %arg11[%swap3A_243], %swap3A_246 {strides = array<i32>} : memref<640xf32, #tpu.memory_space<vmem>>, vector<16xf32>,
    %broadcast_in_dim3A_247 = arith.constant 0.000000e+00 : f32
    %broadcast_in_dim3A_248 = vector.broadcast %broadcast_in_dim3A_247 : f32 to vector<16xf32>
    %swap3A_249 = arith.constant 608 : index
    %swap3A_250 = tpu.vector_load %arg11[%swap3A_249] {strides = array<i32>} : memref<640xf32, #tpu.memory_space<vmem>>, vector<16xf32>,
    %swap3A_251 = vector.shape_cast %swap3A_250 : vector<16xf32> to vector<16xf32>
    %swap3A_252 = vector.shape_cast %broadcast_in_dim3A_248 : vector<16xf32> to vector<16xf32>
    tpu.vector_store %arg11[%swap3A_249], %swap3A_252 {strides = array<i32>} : memref<640xf32, #tpu.memory_space<vmem>>, vector<16xf32>,
    %broadcast_in_dim3A_253 = arith.constant 0.000000e+00 : f32
    %broadcast_in_dim3A_254 = vector.broadcast %broadcast_in_dim3A_253 : f32 to vector<16xf32>
    %swap3A_255 = arith.constant 624 : index
    %swap3A_256 = tpu.vector_load %arg11[%swap3A_255] {strides = array<i32>} : memref<640xf32, #tpu.memory_space<vmem>>, vector<16xf32>,
    %swap3A_257 = vector.shape_cast %swap3A_256 : vector<16xf32> to vector<16xf32>
    %swap3A_258 = vector.shape_cast %broadcast_in_dim3A_254 : vector<16xf32> to vector<16xf32>
    tpu.vector_store %arg11[%swap3A_255], %swap3A_258 {strides = array<i32>} : memref<640xf32, #tpu.memory_space<vmem>>, vector<16xf32>,
    "tpu.region"() ({
      %run_scoped3A_327 = tpu.sem_alloc : memref<!tpu.dma_semaphore, #tpu.memory_space<semaphore_mem>>
      %dma_start3A_328 = tpu.memref_slice %arg13[%mul3A_2] : memref<10240xf32, #tpu.memory_space<vmem_shared>> -> memref<640xf32, #tpu.memory_space<vmem_shared>>
      %dma_start3A_329 = tpu.memref_slice %arg13[%mul3A_2] : memref<10240xf32, #tpu.memory_space<vmem_shared>> -> memref<640xf32, #tpu.memory_space<vmem_shared>>
      tpu.enqueue_dma source(%arg11 : memref<640xf32, #tpu.memory_space<vmem>>) target(%dma_start3A_329 : memref<640xf32, #tpu.memory_space<vmem_shared>>) target_semaphore(%run_scoped3A_327 : memref<!tpu.dma_semaphore, #tpu.memory_space<semaphore_mem>>)
      %dma_wait3A = tpu.memref_slice %arg13[%mul3A_2] : memref<10240xf32, #tpu.memory_space<vmem_shared>> -> memref<640xf32, #tpu.memory_space<vmem_shared>>
      %dma_wait3A_330 = tpu.memref_slice %arg13[%mul3A_2] : memref<10240xf32, #tpu.memory_space<vmem_shared>> -> memref<640xf32, #tpu.memory_space<vmem_shared>>
      tpu.wait_dma2 semaphore(%run_scoped3A_327 : memref<!tpu.dma_semaphore, #tpu.memory_space<semaphore_mem>>) src(%arg11 : memref<640xf32, #tpu.memory_space<vmem>>) dst(%dma_wait3A_330 : memref<640xf32, #tpu.memory_space<vmem_shared>>)
      tpu.yield
    }) : () -> ()
    %broadcast_in_dim3A_259 = arith.constant 1.000000e+00 : f32
    %broadcast_in_dim3A_260 = vector.broadcast %broadcast_in_dim3A_259 : f32 to vector<16xf32>
    %swap3A_261 = arith.constant 0 : index
    %swap3A_262 = tpu.vector_load %arg10[%swap3A_261] {strides = array<i32>} : memref<128xf32, #tpu.memory_space<vmem>>, vector<16xf32>,
    %swap3A_263 = vector.shape_cast %swap3A_262 : vector<16xf32> to vector<16xf32>
    %swap3A_264 = vector.shape_cast %broadcast_in_dim3A_260 : vector<16xf32> to vector<16xf32>
    tpu.vector_store %arg10[%swap3A_261], %swap3A_264 {strides = array<i32>} : memref<128xf32, #tpu.memory_space<vmem>>, vector<16xf32>,
    %broadcast_in_dim3A_265 = arith.constant 1.000000e+00 : f32
    %broadcast_in_dim3A_266 = vector.broadcast %broadcast_in_dim3A_265 : f32 to vector<16xf32>
    %swap3A_267 = arith.constant 16 : index
    %swap3A_268 = tpu.vector_load %arg10[%swap3A_267] {strides = array<i32>} : memref<128xf32, #tpu.memory_space<vmem>>, vector<16xf32>,
    %swap3A_269 = vector.shape_cast %swap3A_268 : vector<16xf32> to vector<16xf32>
    %swap3A_270 = vector.shape_cast %broadcast_in_dim3A_266 : vector<16xf32> to vector<16xf32>
    tpu.vector_store %arg10[%swap3A_267], %swap3A_270 {strides = array<i32>} : memref<128xf32, #tpu.memory_space<vmem>>, vector<16xf32>,
    %broadcast_in_dim3A_271 = arith.constant 1.000000e+00 : f32
    %broadcast_in_dim3A_272 = vector.broadcast %broadcast_in_dim3A_271 : f32 to vector<16xf32>
    %swap3A_273 = arith.constant 32 : index
    %swap3A_274 = tpu.vector_load %arg10[%swap3A_273] {strides = array<i32>} : memref<128xf32, #tpu.memory_space<vmem>>, vector<16xf32>,
    %swap3A_275 = vector.shape_cast %swap3A_274 : vector<16xf32> to vector<16xf32>
    %swap3A_276 = vector.shape_cast %broadcast_in_dim3A_272 : vector<16xf32> to vector<16xf32>
    tpu.vector_store %arg10[%swap3A_273], %swap3A_276 {strides = array<i32>} : memref<128xf32, #tpu.memory_space<vmem>>, vector<16xf32>,
    %broadcast_in_dim3A_277 = arith.constant 1.000000e+00 : f32
    %broadcast_in_dim3A_278 = vector.broadcast %broadcast_in_dim3A_277 : f32 to vector<16xf32>
    %swap3A_279 = arith.constant 48 : index
    %swap3A_280 = tpu.vector_load %arg10[%swap3A_279] {strides = array<i32>} : memref<128xf32, #tpu.memory_space<vmem>>, vector<16xf32>,
    %swap3A_281 = vector.shape_cast %swap3A_280 : vector<16xf32> to vector<16xf32>
    %swap3A_282 = vector.shape_cast %broadcast_in_dim3A_278 : vector<16xf32> to vector<16xf32>
    tpu.vector_store %arg10[%swap3A_279], %swap3A_282 {strides = array<i32>} : memref<128xf32, #tpu.memory_space<vmem>>, vector<16xf32>,
    %broadcast_in_dim3A_283 = arith.constant 1.000000e+00 : f32
    %broadcast_in_dim3A_284 = vector.broadcast %broadcast_in_dim3A_283 : f32 to vector<16xf32>
    %swap3A_285 = arith.constant 64 : index
    %swap3A_286 = tpu.vector_load %arg10[%swap3A_285] {strides = array<i32>} : memref<128xf32, #tpu.memory_space<vmem>>, vector<16xf32>,
    %swap3A_287 = vector.shape_cast %swap3A_286 : vector<16xf32> to vector<16xf32>
    %swap3A_288 = vector.shape_cast %broadcast_in_dim3A_284 : vector<16xf32> to vector<16xf32>
    tpu.vector_store %arg10[%swap3A_285], %swap3A_288 {strides = array<i32>} : memref<128xf32, #tpu.memory_space<vmem>>, vector<16xf32>,
    %broadcast_in_dim3A_289 = arith.constant 1.000000e+00 : f32
    %broadcast_in_dim3A_290 = vector.broadcast %broadcast_in_dim3A_289 : f32 to vector<16xf32>
    %swap3A_291 = arith.constant 80 : index
    %swap3A_292 = tpu.vector_load %arg10[%swap3A_291] {strides = array<i32>} : memref<128xf32, #tpu.memory_space<vmem>>, vector<16xf32>,
    %swap3A_293 = vector.shape_cast %swap3A_292 : vector<16xf32> to vector<16xf32>
    %swap3A_294 = vector.shape_cast %broadcast_in_dim3A_290 : vector<16xf32> to vector<16xf32>
    tpu.vector_store %arg10[%swap3A_291], %swap3A_294 {strides = array<i32>} : memref<128xf32, #tpu.memory_space<vmem>>, vector<16xf32>,
    %broadcast_in_dim3A_295 = arith.constant 1.000000e+00 : f32
    %broadcast_in_dim3A_296 = vector.broadcast %broadcast_in_dim3A_295 : f32 to vector<16xf32>
    %swap3A_297 = arith.constant 96 : index
    %swap3A_298 = tpu.vector_load %arg10[%swap3A_297] {strides = array<i32>} : memref<128xf32, #tpu.memory_space<vmem>>, vector<16xf32>,
    %swap3A_299 = vector.shape_cast %swap3A_298 : vector<16xf32> to vector<16xf32>
    %swap3A_300 = vector.shape_cast %broadcast_in_dim3A_296 : vector<16xf32> to vector<16xf32>
    tpu.vector_store %arg10[%swap3A_297], %swap3A_300 {strides = array<i32>} : memref<128xf32, #tpu.memory_space<vmem>>, vector<16xf32>,
    %broadcast_in_dim3A_301 = arith.constant 1.000000e+00 : f32
    %broadcast_in_dim3A_302 = vector.broadcast %broadcast_in_dim3A_301 : f32 to vector<16xf32>
    %swap3A_303 = arith.constant 112 : index
    %swap3A_304 = tpu.vector_load %arg10[%swap3A_303] {strides = array<i32>} : memref<128xf32, #tpu.memory_space<vmem>>, vector<16xf32>,
    %swap3A_305 = vector.shape_cast %swap3A_304 : vector<16xf32> to vector<16xf32>
    %swap3A_306 = vector.shape_cast %broadcast_in_dim3A_302 : vector<16xf32> to vector<16xf32>
    tpu.vector_store %arg10[%swap3A_303], %swap3A_306 {strides = array<i32>} : memref<128xf32, #tpu.memory_space<vmem>>, vector<16xf32>,
    "tpu.region"() ({
      %run_scoped3A_327 = tpu.sem_alloc : memref<!tpu.dma_semaphore, #tpu.memory_space<semaphore_mem>>
      %dma_start3A_328 = arith.constant 0 : i32
      %dma_start3A_329 = arith.constant 0 : i32
      %dma_start3A_330 = tpu.memref_slice %arg3[%add3A, %dma_start3A_328, %dma_start3A_329] : memref<32x80x128xi32, #tpu.memory_space<hbm>> -> memref<1x16x128xi32, #tpu.memory_space<hbm>>
      %dma_start3A_331 = tpu.memref_squeeze %dma_start3A_330 : memref<1x16x128xi32, #tpu.memory_space<hbm>> -> memref<16x128xi32, #tpu.memory_space<hbm>>
      %dma_start3A_332 = arith.constant 0 : i32
      %dma_start3A_333 = arith.constant 0 : i32
      %dma_start3A_334 = tpu.memref_slice %arg3[%add3A, %dma_start3A_332, %dma_start3A_333] : memref<32x80x128xi32, #tpu.memory_space<hbm>> -> memref<1x16x128xi32, #tpu.memory_space<hbm>>
      %dma_start3A_335 = tpu.memref_squeeze %dma_start3A_334 : memref<1x16x128xi32, #tpu.memory_space<hbm>> -> memref<16x128xi32, #tpu.memory_space<hbm>>
      tpu.enqueue_dma source(%dma_start3A_335 : memref<16x128xi32, #tpu.memory_space<hbm>>) target(%arg7 : memref<16x128xi32, #tpu.memory_space<vmem>>) target_semaphore(%run_scoped3A_327 : memref<!tpu.dma_semaphore, #tpu.memory_space<semaphore_mem>>)
      %dma_wait3A = arith.constant 0 : i32
      %dma_wait3A_336 = arith.constant 0 : i32
      %dma_wait3A_337 = tpu.memref_slice %arg3[%add3A, %dma_wait3A, %dma_wait3A_336] : memref<32x80x128xi32, #tpu.memory_space<hbm>> -> memref<1x16x128xi32, #tpu.memory_space<hbm>>
      %dma_wait3A_338 = tpu.memref_squeeze %dma_wait3A_337 : memref<1x16x128xi32, #tpu.memory_space<hbm>> -> memref<16x128xi32, #tpu.memory_space<hbm>>
      %dma_wait3A_339 = arith.constant 0 : i32
      %dma_wait3A_340 = arith.constant 0 : i32
      %dma_wait3A_341 = tpu.memref_slice %arg3[%add3A, %dma_wait3A_339, %dma_wait3A_340] : memref<32x80x128xi32, #tpu.memory_space<hbm>> -> memref<1x16x128xi32, #tpu.memory_space<hbm>>
      %dma_wait3A_342 = tpu.memref_squeeze %dma_wait3A_341 : memref<1x16x128xi32, #tpu.memory_space<hbm>> -> memref<16x128xi32, #tpu.memory_space<hbm>>
      tpu.wait_dma2 semaphore(%run_scoped3A_327 : memref<!tpu.dma_semaphore, #tpu.memory_space<semaphore_mem>>) src(%dma_wait3A_342 : memref<16x128xi32, #tpu.memory_space<hbm>>) dst(%arg7 : memref<16x128xi32, #tpu.memory_space<vmem>>)
      tpu.yield
    }) : () -> ()
    "tpu.region"() ({
      %run_scoped3A_327 = tpu.sem_alloc : memref<!tpu.dma_semaphore, #tpu.memory_space<semaphore_mem>>
      %dma_start3A_328 = arith.constant 0 : i32
      %dma_start3A_329 = arith.constant 0 : i32
      %dma_start3A_330 = tpu.memref_slice %arg4[%add3A, %dma_start3A_328, %dma_start3A_329] : memref<32x80x128xi32, #tpu.memory_space<hbm>> -> memref<1x16x128xi32, #tpu.memory_space<hbm>>
      %dma_start3A_331 = tpu.memref_squeeze %dma_start3A_330 : memref<1x16x128xi32, #tpu.memory_space<hbm>> -> memref<16x128xi32, #tpu.memory_space<hbm>>
      %dma_start3A_332 = arith.constant 0 : i32
      %dma_start3A_333 = arith.constant 0 : i32
      %dma_start3A_334 = tpu.memref_slice %arg4[%add3A, %dma_start3A_332, %dma_start3A_333] : memref<32x80x128xi32, #tpu.memory_space<hbm>> -> memref<1x16x128xi32, #tpu.memory_space<hbm>>
      %dma_start3A_335 = tpu.memref_squeeze %dma_start3A_334 : memref<1x16x128xi32, #tpu.memory_space<hbm>> -> memref<16x128xi32, #tpu.memory_space<hbm>>
      tpu.enqueue_dma source(%dma_start3A_335 : memref<16x128xi32, #tpu.memory_space<hbm>>) target(%arg8 : memref<16x128xi32, #tpu.memory_space<vmem>>) target_semaphore(%run_scoped3A_327 : memref<!tpu.dma_semaphore, #tpu.memory_space<semaphore_mem>>)
      %dma_wait3A = arith.constant 0 : i32
      %dma_wait3A_336 = arith.constant 0 : i32
      %dma_wait3A_337 = tpu.memref_slice %arg4[%add3A, %dma_wait3A, %dma_wait3A_336] : memref<32x80x128xi32, #tpu.memory_space<hbm>> -> memref<1x16x128xi32, #tpu.memory_space<hbm>>
      %dma_wait3A_338 = tpu.memref_squeeze %dma_wait3A_337 : memref<1x16x128xi32, #tpu.memory_space<hbm>> -> memref<16x128xi32, #tpu.memory_space<hbm>>
      %dma_wait3A_339 = arith.constant 0 : i32
      %dma_wait3A_340 = arith.constant 0 : i32
      %dma_wait3A_341 = tpu.memref_slice %arg4[%add3A, %dma_wait3A_339, %dma_wait3A_340] : memref<32x80x128xi32, #tpu.memory_space<hbm>> -> memref<1x16x128xi32, #tpu.memory_space<hbm>>
      %dma_wait3A_342 = tpu.memref_squeeze %dma_wait3A_341 : memref<1x16x128xi32, #tpu.memory_space<hbm>> -> memref<16x128xi32, #tpu.memory_space<hbm>>
      tpu.wait_dma2 semaphore(%run_scoped3A_327 : memref<!tpu.dma_semaphore, #tpu.memory_space<semaphore_mem>>) src(%dma_wait3A_342 : memref<16x128xi32, #tpu.memory_space<hbm>>) dst(%arg8 : memref<16x128xi32, #tpu.memory_space<vmem>>)
      tpu.yield
    }) : () -> ()
    %barrier3A = arith.constant 0 : index
    tpu.barrier barrier_id(%barrier3A)
    %dma_start3A = arith.constant 0 : i32
    %dma_start3A_307 = arith.constant 0 : i32
    %dma_start3A_308 = arith.constant 0 : i32
    %dma_start3A_309 = arith.constant 0 : i32
    %dma_start3A_310 = tpu.memref_slice %arg9[%dma_start3A_307, %dma_start3A_308, %dma_start3A_309] : memref<2x128x128xbf16, #tpu.memory_space<vmem>> -> memref<1x128x128xbf16, #tpu.memory_space<vmem>>
    %dma_start3A_311 = tpu.memref_squeeze %dma_start3A_310 : memref<1x128x128xbf16, #tpu.memory_space<vmem>> -> memref<128x128xbf16, #tpu.memory_space<vmem>>
    %dma_start3A_312 = arith.constant 0 : i32
    %dma_start3A_313 = tpu.memref_slice %arg7[%dma_start3A, %dma_start3A_312] : memref<16x128xi32, #tpu.memory_space<vmem>> -> memref<1x128xi32, #tpu.memory_space<vmem>>
    %dma_start3A_314 = tpu.memref_squeeze %dma_start3A_313 : memref<1x128xi32, #tpu.memory_space<vmem>> -> memref<128xi32, #tpu.memory_space<vmem>>
    %dma_start3A_315 = arith.constant 0 : i32
    %dma_start3A_316 = arith.constant 0 : i32
    %dma_start3A_317 = tpu.memref_slice %arg2[%dma_start3A_315, %dma_start3A_316] : memref<10000x128xbf16, #tpu.memory_space<hbm>> -> memref<10000x128xbf16, #tpu.memory_space<hbm>>
    tpu.enqueue_indirect_dma source(%dma_start3A_317 : memref<10000x128xbf16, #tpu.memory_space<hbm>>) target(%dma_start3A_311 : memref<128x128xbf16, #tpu.memory_space<vmem>>) offsets(%dma_start3A_314 : memref<128xi32, #tpu.memory_space<vmem>>) semaphore(%arg14 : memref<!tpu.dma_semaphore, #tpu.memory_space<semaphore_mem>>)
    %scan3A_318 = arith.constant 0 : i32
    %scan3A_319 = arith.constant 5 : i32
    %scan3A_320 = arith.addi %scan3A_318, %scan3A_319 : i32
    %scan3A_321 = arith.constant 1 : i32
    scf.for %scan3A_327 = %scan3A_318 to %scan3A_320 step %scan3A_321  : i32 {
      %scan3A_328 = arith.constant 0 : i32
      %scan3A_329 = arith.constant 8 : i32
      %scan3A_330 = arith.addi %scan3A_328, %scan3A_329 : i32
      %scan3A_331 = arith.constant 1 : i32
      scf.for %scan3A_337 = %scan3A_328 to %scan3A_330 step %scan3A_331  : i32 {
        %mul3A_338 = arith.constant 2 : i32
        %mul3A_339 = arith.muli %mul3A_338, %scan3A_337 : i32
        %add3A_340 = arith.constant 1 : i32
        %add3A_341 = arith.addi %mul3A_339, %add3A_340 : i32
        %dma_start3A_342 = arith.constant 1 : i32
        %dma_start3A_343 = arith.constant 0 : i32
        %dma_start3A_344 = arith.constant 0 : i32
        %dma_start3A_345 = tpu.memref_slice %arg9[%dma_start3A_342, %dma_start3A_343, %dma_start3A_344] : memref<2x128x128xbf16, #tpu.memory_space<vmem>> -> memref<1x128x128xbf16, #tpu.memory_space<vmem>>
        %dma_start3A_346 = tpu.memref_squeeze %dma_start3A_345 : memref<1x128x128xbf16, #tpu.memory_space<vmem>> -> memref<128x128xbf16, #tpu.memory_space<vmem>>
        %dma_start3A_347 = arith.constant 0 : i32
        %dma_start3A_348 = tpu.memref_slice %arg7[%add3A_341, %dma_start3A_347] : memref<16x128xi32, #tpu.memory_space<vmem>> -> memref<1x128xi32, #tpu.memory_space<vmem>>
        %dma_start3A_349 = tpu.memref_squeeze %dma_start3A_348 : memref<1x128xi32, #tpu.memory_space<vmem>> -> memref<128xi32, #tpu.memory_space<vmem>>
        %dma_start3A_350 = arith.constant 0 : i32
        %dma_start3A_351 = arith.constant 0 : i32
        %dma_start3A_352 = tpu.memref_slice %arg2[%dma_start3A_350, %dma_start3A_351] : memref<10000x128xbf16, #tpu.memory_space<hbm>> -> memref<10000x128xbf16, #tpu.memory_space<hbm>>
        tpu.enqueue_indirect_dma source(%dma_start3A_352 : memref<10000x128xbf16, #tpu.memory_space<hbm>>) target(%dma_start3A_346 : memref<128x128xbf16, #tpu.memory_space<vmem>>) offsets(%dma_start3A_349 : memref<128xi32, #tpu.memory_space<vmem>>) semaphore(%arg15 : memref<!tpu.dma_semaphore, #tpu.memory_space<semaphore_mem>>)
        %dma_wait3A = arith.constant 0 : i32
        %dma_wait3A_353 = arith.constant 0 : i32
        %dma_wait3A_354 = arith.constant 0 : i32
        %dma_wait3A_355 = arith.constant 0 : i32
        %dma_wait3A_356 = tpu.memref_slice %arg9[%dma_wait3A_353, %dma_wait3A_354, %dma_wait3A_355] : memref<2x128x128xbf16, #tpu.memory_space<vmem>> -> memref<1x128x128xbf16, #tpu.memory_space<vmem>>
        %dma_wait3A_357 = tpu.memref_squeeze %dma_wait3A_356 : memref<1x128x128xbf16, #tpu.memory_space<vmem>> -> memref<128x128xbf16, #tpu.memory_space<vmem>>
        %dma_wait3A_358 = arith.constant 0 : i32
        %dma_wait3A_359 = tpu.memref_slice %arg7[%dma_wait3A, %dma_wait3A_358] : memref<16x128xi32, #tpu.memory_space<vmem>> -> memref<1x128xi32, #tpu.memory_space<vmem>>
        %dma_wait3A_360 = tpu.memref_squeeze %dma_wait3A_359 : memref<1x128xi32, #tpu.memory_space<vmem>> -> memref<128xi32, #tpu.memory_space<vmem>>
        %dma_wait3A_361 = arith.constant 0 : i32
        %dma_wait3A_362 = arith.constant 0 : i32
        %dma_wait3A_363 = tpu.memref_slice %arg2[%dma_wait3A_361, %dma_wait3A_362] : memref<10000x128xbf16, #tpu.memory_space<hbm>> -> memref<10000x128xbf16, #tpu.memory_space<hbm>>
        tpu.wait_indirect_dma semaphore(%arg14 : memref<!tpu.dma_semaphore, #tpu.memory_space<semaphore_mem>>) src(%dma_wait3A_363 : memref<10000x128xbf16, #tpu.memory_space<hbm>>) dst(%dma_wait3A_357 : memref<128x128xbf16, #tpu.memory_space<vmem>>)
        %run_scoped3A_364 = arith.constant 0 : i32
        "tpu.region"() ({
          %run_scoped3A_387 = tpu.sem_alloc : memref<!tpu.dma_semaphore, #tpu.memory_space<semaphore_mem>>
          %dma_start3A_388 = arith.constant 0 : i32
          %dma_start3A_389 = arith.constant 0 : i32
          %dma_start3A_390 = tpu.memref_slice %arg9[%run_scoped3A_364, %dma_start3A_388, %dma_start3A_389] : memref<2x128x128xbf16, #tpu.memory_space<vmem>> -> memref<1x128x128xbf16, #tpu.memory_space<vmem>>
          %dma_start3A_391 = tpu.memref_squeeze %dma_start3A_390 : memref<1x128x128xbf16, #tpu.memory_space<vmem>> -> memref<128x128xbf16, #tpu.memory_space<vmem>>
          %dma_start3A_392 = arith.constant 0 : i32
          %dma_start3A_393 = tpu.memref_slice %arg8[%mul3A_339, %dma_start3A_392] : memref<16x128xi32, #tpu.memory_space<vmem>> -> memref<1x128xi32, #tpu.memory_space<vmem>>
          %dma_start3A_394 = tpu.memref_squeeze %dma_start3A_393 : memref<1x128xi32, #tpu.memory_space<vmem>> -> memref<128xi32, #tpu.memory_space<vmem>>
          %dma_start3A_395 = arith.constant 0 : i32
          %dma_start3A_396 = arith.constant 0 : i32
          %dma_start3A_397 = tpu.memref_slice %arg12[%dma_start3A_395, %dma_start3A_396] : memref<10240x128xbf16, #tpu.memory_space<vmem_shared>> -> memref<10240x128xbf16, #tpu.memory_space<vmem_shared>>
          tpu.enqueue_indirect_dma source(%dma_start3A_391 : memref<128x128xbf16, #tpu.memory_space<vmem>>) target(%dma_start3A_397 : memref<10240x128xbf16, #tpu.memory_space<vmem_shared>>) offsets(%dma_start3A_394 : memref<128xi32, #tpu.memory_space<vmem>>) semaphore(%run_scoped3A_387 : memref<!tpu.dma_semaphore, #tpu.memory_space<semaphore_mem>>) {add = true}
          %dma_wait3A_398 = arith.constant 0 : i32
          %dma_wait3A_399 = arith.constant 0 : i32
          %dma_wait3A_400 = tpu.memref_slice %arg9[%run_scoped3A_364, %dma_wait3A_398, %dma_wait3A_399] : memref<2x128x128xbf16, #tpu.memory_space<vmem>> -> memref<1x128x128xbf16, #tpu.memory_space<vmem>>
          %dma_wait3A_401 = tpu.memref_squeeze %dma_wait3A_400 : memref<1x128x128xbf16, #tpu.memory_space<vmem>> -> memref<128x128xbf16, #tpu.memory_space<vmem>>
          %dma_wait3A_402 = arith.constant 0 : i32
          %dma_wait3A_403 = tpu.memref_slice %arg8[%mul3A_339, %dma_wait3A_402] : memref<16x128xi32, #tpu.memory_space<vmem>> -> memref<1x128xi32, #tpu.memory_space<vmem>>
          %dma_wait3A_404 = tpu.memref_squeeze %dma_wait3A_403 : memref<1x128xi32, #tpu.memory_space<vmem>> -> memref<128xi32, #tpu.memory_space<vmem>>
          %dma_wait3A_405 = arith.constant 0 : i32
          %dma_wait3A_406 = arith.constant 0 : i32
          %dma_wait3A_407 = tpu.memref_slice %arg12[%dma_wait3A_405, %dma_wait3A_406] : memref<10240x128xbf16, #tpu.memory_space<vmem_shared>> -> memref<10240x128xbf16, #tpu.memory_space<vmem_shared>>
          tpu.wait_indirect_dma semaphore(%run_scoped3A_387 : memref<!tpu.dma_semaphore, #tpu.memory_space<semaphore_mem>>) src(%dma_wait3A_401 : memref<128x128xbf16, #tpu.memory_space<vmem>>) dst(%dma_wait3A_407 : memref<10240x128xbf16, #tpu.memory_space<vmem_shared>>)
          tpu.yield
        }) : () -> ()
        "tpu.region"() ({
          %run_scoped3A_387 = tpu.sem_alloc : memref<!tpu.dma_semaphore, #tpu.memory_space<semaphore_mem>>
          %dma_start3A_388 = arith.constant 0 : i32
          %dma_start3A_389 = tpu.memref_slice %arg8[%mul3A_339, %dma_start3A_388] : memref<16x128xi32, #tpu.memory_space<vmem>> -> memref<1x128xi32, #tpu.memory_space<vmem>>
          %dma_start3A_390 = tpu.memref_squeeze %dma_start3A_389 : memref<1x128xi32, #tpu.memory_space<vmem>> -> memref<128xi32, #tpu.memory_space<vmem>>
          %dma_start3A_391 = arith.constant 0 : i32
          %dma_start3A_392 = tpu.memref_slice %arg13[%dma_start3A_391] : memref<10240xf32, #tpu.memory_space<vmem_shared>> -> memref<10240xf32, #tpu.memory_space<vmem_shared>>
          tpu.enqueue_indirect_dma source(%arg10 : memref<128xf32, #tpu.memory_space<vmem>>) target(%dma_start3A_392 : memref<10240xf32, #tpu.memory_space<vmem_shared>>) offsets(%dma_start3A_390 : memref<128xi32, #tpu.memory_space<vmem>>) semaphore(%run_scoped3A_387 : memref<!tpu.dma_semaphore, #tpu.memory_space<semaphore_mem>>) {add = true}
          %dma_wait3A_393 = arith.constant 0 : i32
          %dma_wait3A_394 = tpu.memref_slice %arg8[%mul3A_339, %dma_wait3A_393] : memref<16x128xi32, #tpu.memory_space<vmem>> -> memref<1x128xi32, #tpu.memory_space<vmem>>
          %dma_wait3A_395 = tpu.memref_squeeze %dma_wait3A_394 : memref<1x128xi32, #tpu.memory_space<vmem>> -> memref<128xi32, #tpu.memory_space<vmem>>
          %dma_wait3A_396 = arith.constant 0 : i32
          %dma_wait3A_397 = tpu.memref_slice %arg13[%dma_wait3A_396] : memref<10240xf32, #tpu.memory_space<vmem_shared>> -> memref<10240xf32, #tpu.memory_space<vmem_shared>>
          tpu.wait_indirect_dma semaphore(%run_scoped3A_387 : memref<!tpu.dma_semaphore, #tpu.memory_space<semaphore_mem>>) src(%arg10 : memref<128xf32, #tpu.memory_space<vmem>>) dst(%dma_wait3A_397 : memref<10240xf32, #tpu.memory_space<vmem_shared>>)
          tpu.yield
        }) : () -> ()
        %add3A_365 = arith.constant 2 : i32
        %add3A_366 = arith.addi %mul3A_339, %add3A_365 : i32
        %lt3A_367 = arith.constant 16 : i32
        %lt3A_368 = arith.cmpi slt, %add3A_366, %lt3A_367 : i32
        %convert_element_type3A_369 = arith.extui %lt3A_368 : i1 to i32
        %cond3A_370 = arith.constant 0 : i32
        %cond3A_371 = arith.cmpi ne, %convert_element_type3A_369, %cond3A_370 : i32
        scf.if %cond3A_371 {
          %add3A_387 = arith.constant 2 : i32
          %add3A_388 = arith.addi %mul3A_339, %add3A_387 : i32
          %dma_start3A_389 = arith.constant 0 : i32
          %dma_start3A_390 = arith.constant 0 : i32
          %dma_start3A_391 = arith.constant 0 : i32
          %dma_start3A_392 = tpu.memref_slice %arg9[%dma_start3A_389, %dma_start3A_390, %dma_start3A_391] : memref<2x128x128xbf16, #tpu.memory_space<vmem>> -> memref<1x128x128xbf16, #tpu.memory_space<vmem>>
          %dma_start3A_393 = tpu.memref_squeeze %dma_start3A_392 : memref<1x128x128xbf16, #tpu.memory_space<vmem>> -> memref<128x128xbf16, #tpu.memory_space<vmem>>
          %dma_start3A_394 = arith.constant 0 : i32
          %dma_start3A_395 = tpu.memref_slice %arg7[%add3A_388, %dma_start3A_394] : memref<16x128xi32, #tpu.memory_space<vmem>> -> memref<1x128xi32, #tpu.memory_space<vmem>>
          %dma_start3A_396 = tpu.memref_squeeze %dma_start3A_395 : memref<1x128xi32, #tpu.memory_space<vmem>> -> memref<128xi32, #tpu.memory_space<vmem>>
          %dma_start3A_397 = arith.constant 0 : i32
          %dma_start3A_398 = arith.constant 0 : i32
          %dma_start3A_399 = tpu.memref_slice %arg2[%dma_start3A_397, %dma_start3A_398] : memref<10000x128xbf16, #tpu.memory_space<hbm>> -> memref<10000x128xbf16, #tpu.memory_space<hbm>>
          tpu.enqueue_indirect_dma source(%dma_start3A_399 : memref<10000x128xbf16, #tpu.memory_space<hbm>>) target(%dma_start3A_393 : memref<128x128xbf16, #tpu.memory_space<vmem>>) offsets(%dma_start3A_396 : memref<128xi32, #tpu.memory_space<vmem>>) semaphore(%arg14 : memref<!tpu.dma_semaphore, #tpu.memory_space<semaphore_mem>>)
        } else {
        }
        %dma_wait3A_372 = arith.constant 0 : i32
        %dma_wait3A_373 = arith.constant 1 : i32
        %dma_wait3A_374 = arith.constant 0 : i32
        %dma_wait3A_375 = arith.constant 0 : i32
        %dma_wait3A_376 = tpu.memref_slice %arg9[%dma_wait3A_373, %dma_wait3A_374, %dma_wait3A_375] : memref<2x128x128xbf16, #tpu.memory_space<vmem>> -> memref<1x128x128xbf16, #tpu.memory_space<vmem>>
        %dma_wait3A_377 = tpu.memref_squeeze %dma_wait3A_376 : memref<1x128x128xbf16, #tpu.memory_space<vmem>> -> memref<128x128xbf16, #tpu.memory_space<vmem>>
        %dma_wait3A_378 = arith.constant 0 : i32
        %dma_wait3A_379 = tpu.memref_slice %arg7[%dma_wait3A_372, %dma_wait3A_378] : memref<16x128xi32, #tpu.memory_space<vmem>> -> memref<1x128xi32, #tpu.memory_space<vmem>>
        %dma_wait3A_380 = tpu.memref_squeeze %dma_wait3A_379 : memref<1x128xi32, #tpu.memory_space<vmem>> -> memref<128xi32, #tpu.memory_space<vmem>>
        %dma_wait3A_381 = arith.constant 0 : i32
        %dma_wait3A_382 = arith.constant 0 : i32
        %dma_wait3A_383 = tpu.memref_slice %arg2[%dma_wait3A_381, %dma_wait3A_382] : memref<10000x128xbf16, #tpu.memory_space<hbm>> -> memref<10000x128xbf16, #tpu.memory_space<hbm>>
        tpu.wait_indirect_dma semaphore(%arg15 : memref<!tpu.dma_semaphore, #tpu.memory_space<semaphore_mem>>) src(%dma_wait3A_383 : memref<10000x128xbf16, #tpu.memory_space<hbm>>) dst(%dma_wait3A_377 : memref<128x128xbf16, #tpu.memory_space<vmem>>)
        %add3A_384 = arith.constant 1 : i32
        %add3A_385 = arith.addi %mul3A_339, %add3A_384 : i32
        %run_scoped3A_386 = arith.constant 1 : i32
        "tpu.region"() ({
          %run_scoped3A_387 = tpu.sem_alloc : memref<!tpu.dma_semaphore, #tpu.memory_space<semaphore_mem>>
          %dma_start3A_388 = arith.constant 0 : i32
          %dma_start3A_389 = arith.constant 0 : i32
          %dma_start3A_390 = tpu.memref_slice %arg9[%run_scoped3A_386, %dma_start3A_388, %dma_start3A_389] : memref<2x128x128xbf16, #tpu.memory_space<vmem>> -> memref<1x128x128xbf16, #tpu.memory_space<vmem>>
          %dma_start3A_391 = tpu.memref_squeeze %dma_start3A_390 : memref<1x128x128xbf16, #tpu.memory_space<vmem>> -> memref<128x128xbf16, #tpu.memory_space<vmem>>
          %dma_start3A_392 = arith.constant 0 : i32
          %dma_start3A_393 = tpu.memref_slice %arg8[%add3A_385, %dma_start3A_392] : memref<16x128xi32, #tpu.memory_space<vmem>> -> memref<1x128xi32, #tpu.memory_space<vmem>>
          %dma_start3A_394 = tpu.memref_squeeze %dma_start3A_393 : memref<1x128xi32, #tpu.memory_space<vmem>> -> memref<128xi32, #tpu.memory_space<vmem>>
          %dma_start3A_395 = arith.constant 0 : i32
          %dma_start3A_396 = arith.constant 0 : i32
          %dma_start3A_397 = tpu.memref_slice %arg12[%dma_start3A_395, %dma_start3A_396] : memref<10240x128xbf16, #tpu.memory_space<vmem_shared>> -> memref<10240x128xbf16, #tpu.memory_space<vmem_shared>>
          tpu.enqueue_indirect_dma source(%dma_start3A_391 : memref<128x128xbf16, #tpu.memory_space<vmem>>) target(%dma_start3A_397 : memref<10240x128xbf16, #tpu.memory_space<vmem_shared>>) offsets(%dma_start3A_394 : memref<128xi32, #tpu.memory_space<vmem>>) semaphore(%run_scoped3A_387 : memref<!tpu.dma_semaphore, #tpu.memory_space<semaphore_mem>>) {add = true}
          %dma_wait3A_398 = arith.constant 0 : i32
          %dma_wait3A_399 = arith.constant 0 : i32
          %dma_wait3A_400 = tpu.memref_slice %arg9[%run_scoped3A_386, %dma_wait3A_398, %dma_wait3A_399] : memref<2x128x128xbf16, #tpu.memory_space<vmem>> -> memref<1x128x128xbf16, #tpu.memory_space<vmem>>
          %dma_wait3A_401 = tpu.memref_squeeze %dma_wait3A_400 : memref<1x128x128xbf16, #tpu.memory_space<vmem>> -> memref<128x128xbf16, #tpu.memory_space<vmem>>
          %dma_wait3A_402 = arith.constant 0 : i32
          %dma_wait3A_403 = tpu.memref_slice %arg8[%add3A_385, %dma_wait3A_402] : memref<16x128xi32, #tpu.memory_space<vmem>> -> memref<1x128xi32, #tpu.memory_space<vmem>>
          %dma_wait3A_404 = tpu.memref_squeeze %dma_wait3A_403 : memref<1x128xi32, #tpu.memory_space<vmem>> -> memref<128xi32, #tpu.memory_space<vmem>>
          %dma_wait3A_405 = arith.constant 0 : i32
          %dma_wait3A_406 = arith.constant 0 : i32
          %dma_wait3A_407 = tpu.memref_slice %arg12[%dma_wait3A_405, %dma_wait3A_406] : memref<10240x128xbf16, #tpu.memory_space<vmem_shared>> -> memref<10240x128xbf16, #tpu.memory_space<vmem_shared>>
          tpu.wait_indirect_dma semaphore(%run_scoped3A_387 : memref<!tpu.dma_semaphore, #tpu.memory_space<semaphore_mem>>) src(%dma_wait3A_401 : memref<128x128xbf16, #tpu.memory_space<vmem>>) dst(%dma_wait3A_407 : memref<10240x128xbf16, #tpu.memory_space<vmem_shared>>)
          tpu.yield
        }) : () -> ()
        "tpu.region"() ({
          %run_scoped3A_387 = tpu.sem_alloc : memref<!tpu.dma_semaphore, #tpu.memory_space<semaphore_mem>>
          %dma_start3A_388 = arith.constant 0 : i32
          %dma_start3A_389 = tpu.memref_slice %arg8[%add3A_385, %dma_start3A_388] : memref<16x128xi32, #tpu.memory_space<vmem>> -> memref<1x128xi32, #tpu.memory_space<vmem>>
          %dma_start3A_390 = tpu.memref_squeeze %dma_start3A_389 : memref<1x128xi32, #tpu.memory_space<vmem>> -> memref<128xi32, #tpu.memory_space<vmem>>
          %dma_start3A_391 = arith.constant 0 : i32
          %dma_start3A_392 = tpu.memref_slice %arg13[%dma_start3A_391] : memref<10240xf32, #tpu.memory_space<vmem_shared>> -> memref<10240xf32, #tpu.memory_space<vmem_shared>>
          tpu.enqueue_indirect_dma source(%arg10 : memref<128xf32, #tpu.memory_space<vmem>>) target(%dma_start3A_392 : memref<10240xf32, #tpu.memory_space<vmem_shared>>) offsets(%dma_start3A_390 : memref<128xi32, #tpu.memory_space<vmem>>) semaphore(%run_scoped3A_387 : memref<!tpu.dma_semaphore, #tpu.memory_space<semaphore_mem>>) {add = true}
          %dma_wait3A_393 = arith.constant 0 : i32
          %dma_wait3A_394 = tpu.memref_slice %arg8[%add3A_385, %dma_wait3A_393] : memref<16x128xi32, #tpu.memory_space<vmem>> -> memref<1x128xi32, #tpu.memory_space<vmem>>
          %dma_wait3A_395 = tpu.memref_squeeze %dma_wait3A_394 : memref<1x128xi32, #tpu.memory_space<vmem>> -> memref<128xi32, #tpu.memory_space<vmem>>
          %dma_wait3A_396 = arith.constant 0 : i32
          %dma_wait3A_397 = tpu.memref_slice %arg13[%dma_wait3A_396] : memref<10240xf32, #tpu.memory_space<vmem_shared>> -> memref<10240xf32, #tpu.memory_space<vmem_shared>>
          tpu.wait_indirect_dma semaphore(%run_scoped3A_387 : memref<!tpu.dma_semaphore, #tpu.memory_space<semaphore_mem>>) src(%arg10 : memref<128xf32, #tpu.memory_space<vmem>>) dst(%dma_wait3A_397 : memref<10240xf32, #tpu.memory_space<vmem_shared>>)
          tpu.yield
        }) : () -> ()
      }
      %scan3A_332 = arith.constant 8 : i32
      %add3A_333 = arith.constant 1 : i32
      %add3A_334 = arith.addi %scan3A_327, %add3A_333 : i32
      %lt3A = arith.constant 5 : i32
      %lt3A_335 = arith.cmpi slt, %add3A_334, %lt3A : i32
      %convert_element_type3A = arith.extui %lt3A_335 : i1 to i32
      %cond3A = arith.constant 0 : i32
      %cond3A_336 = arith.cmpi ne, %convert_element_type3A, %cond3A : i32
      scf.if %cond3A_336 {
        %add3A_337 = arith.constant 1 : i32
        %add3A_338 = arith.addi %scan3A_327, %add3A_337 : i32
        %mul3A_339 = arith.constant 16 : i32
        %mul3A_340 = arith.muli %add3A_338, %mul3A_339 : i32
        "tpu.region"() ({
          %run_scoped3A_355 = tpu.sem_alloc : memref<!tpu.dma_semaphore, #tpu.memory_space<semaphore_mem>>
          %dma_start3A_356 = arith.constant 0 : i32
          %dma_start3A_357 = tpu.memref_slice %arg3[%add3A, %mul3A_340, %dma_start3A_356] : memref<32x80x128xi32, #tpu.memory_space<hbm>> -> memref<1x16x128xi32, #tpu.memory_space<hbm>>
          %dma_start3A_358 = tpu.memref_squeeze %dma_start3A_357 : memref<1x16x128xi32, #tpu.memory_space<hbm>> -> memref<16x128xi32, #tpu.memory_space<hbm>>
          %dma_start3A_359 = arith.constant 0 : i32
          %dma_start3A_360 = tpu.memref_slice %arg3[%add3A, %mul3A_340, %dma_start3A_359] : memref<32x80x128xi32, #tpu.memory_space<hbm>> -> memref<1x16x128xi32, #tpu.memory_space<hbm>>
          %dma_start3A_361 = tpu.memref_squeeze %dma_start3A_360 : memref<1x16x128xi32, #tpu.memory_space<hbm>> -> memref<16x128xi32, #tpu.memory_space<hbm>>
          tpu.enqueue_dma source(%dma_start3A_361 : memref<16x128xi32, #tpu.memory_space<hbm>>) target(%arg7 : memref<16x128xi32, #tpu.memory_space<vmem>>) target_semaphore(%run_scoped3A_355 : memref<!tpu.dma_semaphore, #tpu.memory_space<semaphore_mem>>)
          %dma_wait3A = arith.constant 0 : i32
          %dma_wait3A_362 = tpu.memref_slice %arg3[%add3A, %mul3A_340, %dma_wait3A] : memref<32x80x128xi32, #tpu.memory_space<hbm>> -> memref<1x16x128xi32, #tpu.memory_space<hbm>>
          %dma_wait3A_363 = tpu.memref_squeeze %dma_wait3A_362 : memref<1x16x128xi32, #tpu.memory_space<hbm>> -> memref<16x128xi32, #tpu.memory_space<hbm>>
          %dma_wait3A_364 = arith.constant 0 : i32
          %dma_wait3A_365 = tpu.memref_slice %arg3[%add3A, %mul3A_340, %dma_wait3A_364] : memref<32x80x128xi32, #tpu.memory_space<hbm>> -> memref<1x16x128xi32, #tpu.memory_space<hbm>>
          %dma_wait3A_366 = tpu.memref_squeeze %dma_wait3A_365 : memref<1x16x128xi32, #tpu.memory_space<hbm>> -> memref<16x128xi32, #tpu.memory_space<hbm>>
          tpu.wait_dma2 semaphore(%run_scoped3A_355 : memref<!tpu.dma_semaphore, #tpu.memory_space<semaphore_mem>>) src(%dma_wait3A_366 : memref<16x128xi32, #tpu.memory_space<hbm>>) dst(%arg7 : memref<16x128xi32, #tpu.memory_space<vmem>>)
          tpu.yield
        }) : () -> ()
        %mul3A_341 = arith.constant 16 : i32
        %mul3A_342 = arith.muli %add3A_338, %mul3A_341 : i32
        "tpu.region"() ({
          %run_scoped3A_355 = tpu.sem_alloc : memref<!tpu.dma_semaphore, #tpu.memory_space<semaphore_mem>>
          %dma_start3A_356 = arith.constant 0 : i32
          %dma_start3A_357 = tpu.memref_slice %arg4[%add3A, %mul3A_342, %dma_start3A_356] : memref<32x80x128xi32, #tpu.memory_space<hbm>> -> memref<1x16x128xi32, #tpu.memory_space<hbm>>
          %dma_start3A_358 = tpu.memref_squeeze %dma_start3A_357 : memref<1x16x128xi32, #tpu.memory_space<hbm>> -> memref<16x128xi32, #tpu.memory_space<hbm>>
          %dma_start3A_359 = arith.constant 0 : i32
          %dma_start3A_360 = tpu.memref_slice %arg4[%add3A, %mul3A_342, %dma_start3A_359] : memref<32x80x128xi32, #tpu.memory_space<hbm>> -> memref<1x16x128xi32, #tpu.memory_space<hbm>>
          %dma_start3A_361 = tpu.memref_squeeze %dma_start3A_360 : memref<1x16x128xi32, #tpu.memory_space<hbm>> -> memref<16x128xi32, #tpu.memory_space<hbm>>
          tpu.enqueue_dma source(%dma_start3A_361 : memref<16x128xi32, #tpu.memory_space<hbm>>) target(%arg8 : memref<16x128xi32, #tpu.memory_space<vmem>>) target_semaphore(%run_scoped3A_355 : memref<!tpu.dma_semaphore, #tpu.memory_space<semaphore_mem>>)
          %dma_wait3A = arith.constant 0 : i32
          %dma_wait3A_362 = tpu.memref_slice %arg4[%add3A, %mul3A_342, %dma_wait3A] : memref<32x80x128xi32, #tpu.memory_space<hbm>> -> memref<1x16x128xi32, #tpu.memory_space<hbm>>
          %dma_wait3A_363 = tpu.memref_squeeze %dma_wait3A_362 : memref<1x16x128xi32, #tpu.memory_space<hbm>> -> memref<16x128xi32, #tpu.memory_space<hbm>>
          %dma_wait3A_364 = arith.constant 0 : i32
          %dma_wait3A_365 = tpu.memref_slice %arg4[%add3A, %mul3A_342, %dma_wait3A_364] : memref<32x80x128xi32, #tpu.memory_space<hbm>> -> memref<1x16x128xi32, #tpu.memory_space<hbm>>
          %dma_wait3A_366 = tpu.memref_squeeze %dma_wait3A_365 : memref<1x16x128xi32, #tpu.memory_space<hbm>> -> memref<16x128xi32, #tpu.memory_space<hbm>>
          tpu.wait_dma2 semaphore(%run_scoped3A_355 : memref<!tpu.dma_semaphore, #tpu.memory_space<semaphore_mem>>) src(%dma_wait3A_366 : memref<16x128xi32, #tpu.memory_space<hbm>>) dst(%arg8 : memref<16x128xi32, #tpu.memory_space<vmem>>)
          tpu.yield
        }) : () -> ()
        %dma_start3A_343 = arith.constant 0 : i32
        %dma_start3A_344 = arith.constant 0 : i32
        %dma_start3A_345 = arith.constant 0 : i32
        %dma_start3A_346 = arith.constant 0 : i32
        %dma_start3A_347 = tpu.memref_slice %arg9[%dma_start3A_344, %dma_start3A_345, %dma_start3A_346] : memref<2x128x128xbf16, #tpu.memory_space<vmem>> -> memref<1x128x128xbf16, #tpu.memory_space<vmem>>
        %dma_start3A_348 = tpu.memref_squeeze %dma_start3A_347 : memref<1x128x128xbf16, #tpu.memory_space<vmem>> -> memref<128x128xbf16, #tpu.memory_space<vmem>>
        %dma_start3A_349 = arith.constant 0 : i32
        %dma_start3A_350 = tpu.memref_slice %arg7[%dma_start3A_343, %dma_start3A_349] : memref<16x128xi32, #tpu.memory_space<vmem>> -> memref<1x128xi32, #tpu.memory_space<vmem>>
        %dma_start3A_351 = tpu.memref_squeeze %dma_start3A_350 : memref<1x128xi32, #tpu.memory_space<vmem>> -> memref<128xi32, #tpu.memory_space<vmem>>
        %dma_start3A_352 = arith.constant 0 : i32
        %dma_start3A_353 = arith.constant 0 : i32
        %dma_start3A_354 = tpu.memref_slice %arg2[%dma_start3A_352, %dma_start3A_353] : memref<10000x128xbf16, #tpu.memory_space<hbm>> -> memref<10000x128xbf16, #tpu.memory_space<hbm>>
        tpu.enqueue_indirect_dma source(%dma_start3A_354 : memref<10000x128xbf16, #tpu.memory_space<hbm>>) target(%dma_start3A_348 : memref<128x128xbf16, #tpu.memory_space<vmem>>) offsets(%dma_start3A_351 : memref<128xi32, #tpu.memory_space<vmem>>) semaphore(%arg14 : memref<!tpu.dma_semaphore, #tpu.memory_space<semaphore_mem>>)
      } else {
      }
    }
    %scan3A_322 = arith.constant 5 : i32
    %barrier3A_323 = arith.constant 0 : index
    tpu.barrier barrier_id(%barrier3A_323)
    "tpu.region"() ({
      %run_scoped3A_327 = tpu.sem_alloc : memref<!tpu.dma_semaphore, #tpu.memory_space<semaphore_mem>>
      %dma_start3A_328 = arith.constant 0 : i32
      %dma_start3A_329 = tpu.memref_slice %arg5[%arg0, %mul3A_2, %dma_start3A_328] : memref<2x10240x128xbf16, #tpu.memory_space<hbm>> -> memref<1x640x128xbf16, #tpu.memory_space<hbm>>
      %dma_start3A_330 = tpu.memref_squeeze %dma_start3A_329 : memref<1x640x128xbf16, #tpu.memory_space<hbm>> -> memref<640x128xbf16, #tpu.memory_space<hbm>>
      %dma_start3A_331 = arith.constant 0 : i32
      %dma_start3A_332 = tpu.memref_slice %arg12[%mul3A_2, %dma_start3A_331] : memref<10240x128xbf16, #tpu.memory_space<vmem_shared>> -> memref<640x128xbf16, #tpu.memory_space<vmem_shared>>
      tpu.enqueue_dma source(%dma_start3A_332 : memref<640x128xbf16, #tpu.memory_space<vmem_shared>>) target(%dma_start3A_330 : memref<640x128xbf16, #tpu.memory_space<hbm>>) target_semaphore(%run_scoped3A_327 : memref<!tpu.dma_semaphore, #tpu.memory_space<semaphore_mem>>)
      %dma_wait3A = arith.constant 0 : i32
      %dma_wait3A_333 = tpu.memref_slice %arg5[%arg0, %mul3A_2, %dma_wait3A] : memref<2x10240x128xbf16, #tpu.memory_space<hbm>> -> memref<1x640x128xbf16, #tpu.memory_space<hbm>>
      %dma_wait3A_334 = tpu.memref_squeeze %dma_wait3A_333 : memref<1x640x128xbf16, #tpu.memory_space<hbm>> -> memref<640x128xbf16, #tpu.memory_space<hbm>>
      %dma_wait3A_335 = arith.constant 0 : i32
      %dma_wait3A_336 = tpu.memref_slice %arg12[%mul3A_2, %dma_wait3A_335] : memref<10240x128xbf16, #tpu.memory_space<vmem_shared>> -> memref<640x128xbf16, #tpu.memory_space<vmem_shared>>
      tpu.wait_dma2 semaphore(%run_scoped3A_327 : memref<!tpu.dma_semaphore, #tpu.memory_space<semaphore_mem>>) src(%dma_wait3A_336 : memref<640x128xbf16, #tpu.memory_space<vmem_shared>>) dst(%dma_wait3A_334 : memref<640x128xbf16, #tpu.memory_space<hbm>>)
      tpu.yield
    }) : () -> ()
    %mul3A_324 = arith.constant 10240 : i32
    %mul3A_325 = arith.muli %arg0, %mul3A_324 : i32
    %add3A_326 = arith.addi %mul3A_325, %mul3A_2 : i32
    "tpu.region"() ({
      %run_scoped3A_327 = tpu.sem_alloc : memref<!tpu.dma_semaphore, #tpu.memory_space<semaphore_mem>>
      %dma_start3A_328 = tpu.memref_slice %arg6[%add3A_326] : memref<20480xf32, #tpu.memory_space<hbm>> -> memref<640xf32, #tpu.memory_space<hbm>>
      %dma_start3A_329 = tpu.memref_slice %arg13[%mul3A_2] : memref<10240xf32, #tpu.memory_space<vmem_shared>> -> memref<640xf32, #tpu.memory_space<vmem_shared>>
      tpu.enqueue_dma source(%dma_start3A_329 : memref<640xf32, #tpu.memory_space<vmem_shared>>) target(%dma_start3A_328 : memref<640xf32, #tpu.memory_space<hbm>>) target_semaphore(%run_scoped3A_327 : memref<!tpu.dma_semaphore, #tpu.memory_space<semaphore_mem>>)
      %dma_wait3A = tpu.memref_slice %arg6[%add3A_326] : memref<20480xf32, #tpu.memory_space<hbm>> -> memref<640xf32, #tpu.memory_space<hbm>>
      %dma_wait3A_330 = tpu.memref_slice %arg13[%mul3A_2] : memref<10240xf32, #tpu.memory_space<vmem_shared>> -> memref<640xf32, #tpu.memory_space<vmem_shared>>
      tpu.wait_dma2 semaphore(%run_scoped3A_327 : memref<!tpu.dma_semaphore, #tpu.memory_space<semaphore_mem>>) src(%dma_wait3A_330 : memref<640xf32, #tpu.memory_space<vmem_shared>>) dst(%dma_wait3A : memref<640xf32, #tpu.memory_space<hbm>>)
      tpu.yield
    }) : () -> ()
    return
  }
}

module attributes {stable_mosaic.version = 14 : i64} {
  func.func @_tc_body(%arg0: memref<10000x128xf32, #tpu.memory_space<vmem>>, %arg1: memref<2x10240x128xbf16, #tpu.memory_space<vmem>>, %arg2: memref<2x10240xf32, #tpu.memory_space<vmem>>, %arg3: memref<128x128xf32, #tpu.memory_space<vmem>>, %arg4: memref<128x128xf32, #tpu.memory_space<vmem>>, %arg5: memref<1x128xf32, #tpu.memory_space<vmem>>, %arg6: memref<10000x128xf32, #tpu.memory_space<vmem>>) attributes {dimension_semantics = [], scalar_prefetch = 0 : i64, scratch_operands = 0 : i64, tpu.core_type = #tpu.core_type<tc>} {
    %get3A = arith.constant 0 : index
    %get3A_0 = arith.constant 0 : index
    %get3A_1 = arith.constant 0 : index
    %get3A_2 = vector.load %arg1[%get3A, %get3A_0, %get3A_1] : memref<2x10240x128xbf16, #tpu.memory_space<vmem>>, vector<1x10000x128xbf16>
    %get3A_3 = vector.shape_cast %get3A_2 : vector<1x10000x128xbf16> to vector<10000x128xbf16>
    %convert_element_type3A = arith.extf %get3A_3 : vector<10000x128xbf16> to vector<10000x128xf32>
    %get3A_4 = arith.constant 1 : index
    %get3A_5 = arith.constant 0 : index
    %get3A_6 = arith.constant 0 : index
    %get3A_7 = vector.load %arg1[%get3A_4, %get3A_5, %get3A_6] : memref<2x10240x128xbf16, #tpu.memory_space<vmem>>, vector<1x10000x128xbf16>
    %get3A_8 = vector.shape_cast %get3A_7 : vector<1x10000x128xbf16> to vector<10000x128xbf16>
    %convert_element_type3A_9 = arith.extf %get3A_8 : vector<10000x128xbf16> to vector<10000x128xf32>
    %add3A = arith.addf %convert_element_type3A, %convert_element_type3A_9 : vector<10000x128xf32>
    %get3A_10 = arith.constant 0 : index
    %get3A_11 = arith.constant 0 : index
    %get3A_12 = vector.load %arg2[%get3A_10, %get3A_11] : memref<2x10240xf32, #tpu.memory_space<vmem>>, vector<1x10000xf32>
    %get3A_13 = vector.shape_cast %get3A_12 : vector<1x10000xf32> to vector<10000xf32>
    %get3A_14 = arith.constant 1 : index
    %get3A_15 = arith.constant 0 : index
    %get3A_16 = vector.load %arg2[%get3A_14, %get3A_15] : memref<2x10240xf32, #tpu.memory_space<vmem>>, vector<1x10000xf32>
    %get3A_17 = vector.shape_cast %get3A_16 : vector<1x10000xf32> to vector<10000xf32>
    %add3A_18 = arith.addf %get3A_13, %get3A_17 : vector<10000xf32>
    %max3A = arith.constant 1.000000e+00 : f32
    %max3A_19 = vector.broadcast %max3A : f32 to vector<10000xf32>
    %max3A_20 = arith.maximumf %add3A_18, %max3A_19 : vector<10000xf32>
    %div3A = arith.constant 1.000000e+00 : f32
    %div3A_21 = vector.broadcast %div3A : f32 to vector<10000xf32>
    %div3A_22 = arith.divf %div3A_21, %max3A_20 : vector<10000xf32>
    %broadcast_in_dim3A = vector.shape_cast %div3A_22 : vector<10000xf32> to vector<10000x1xf32>
    %mul3A = vector.broadcast %broadcast_in_dim3A : vector<10000x1xf32> to vector<10000x128xf32>
    %mul3A_23 = arith.mulf %add3A, %mul3A : vector<10000x128xf32>
    %get3A_24 = arith.constant 0 : index
    %get3A_25 = arith.constant 0 : index
    %get3A_26 = vector.load %arg0[%get3A_24, %get3A_25] : memref<10000x128xf32, #tpu.memory_space<vmem>>, vector<10000x128xf32>
    %get3A_27 = arith.constant 0 : index
    %get3A_28 = arith.constant 0 : index
    %get3A_29 = vector.load %arg4[%get3A_27, %get3A_28] : memref<128x128xf32, #tpu.memory_space<vmem>>, vector<128x128xf32>
    %dot_general3A = arith.constant dense<0.000000e+00> : vector<10000x128xf32>
    %dot_general3A_30 = tpu.matmul %get3A_26, %get3A_29, %dot_general3A {dimension_numbers = #tpu.dot_dimension_numbers<[1], [1], [0], [0], [0, 0, 1, 0], [], []>, transpose_lhs_hint = false} : vector<10000x128xf32>, vector<128x128xf32>, vector<10000x128xf32> -> vector<10000x128xf32>
    %get3A_31 = arith.constant 0 : index
    %get3A_32 = arith.constant 0 : index
    %get3A_33 = vector.load %arg3[%get3A_31, %get3A_32] : memref<128x128xf32, #tpu.memory_space<vmem>>, vector<128x128xf32>
    %dot_general3A_34 = arith.constant dense<0.000000e+00> : vector<10000x128xf32>
    %dot_general3A_35 = tpu.matmul %mul3A_23, %get3A_33, %dot_general3A_34 {dimension_numbers = #tpu.dot_dimension_numbers<[1], [1], [0], [0], [0, 0, 1, 0], [], []>, transpose_lhs_hint = false} : vector<10000x128xf32>, vector<128x128xf32>, vector<10000x128xf32> -> vector<10000x128xf32>
    %add3A_36 = arith.addf %dot_general3A_30, %dot_general3A_35 : vector<10000x128xf32>
    %get3A_37 = arith.constant 0 : index
    %get3A_38 = arith.constant 0 : index
    %get3A_39 = vector.load %arg5[%get3A_37, %get3A_38] : memref<1x128xf32, #tpu.memory_space<vmem>>, vector<1x128xf32>
    %add3A_40 = vector.broadcast %get3A_39 : vector<1x128xf32> to vector<10000x128xf32>
    %add3A_41 = arith.addf %add3A_36, %add3A_40 : vector<10000x128xf32>
    %swap3A = arith.constant 0 : index
    %swap3A_42 = arith.constant 0 : index
    %swap3A_43 = vector.load %arg6[%swap3A, %swap3A_42] : memref<10000x128xf32, #tpu.memory_space<vmem>>, vector<10000x128xf32>
    tpu.vector_store %arg6[%swap3A, %swap3A_42], %add3A_41 {strides = array<i32>} : memref<10000x128xf32, #tpu.memory_space<vmem>>, vector<10000x128xf32>,
    return
  }
}

</mosaic_0001>

<sc_bundles>
// kernel: kernel.4.cloned.1.call-start
scs
__scs_entry_jumppad:
0x0: {  	(pc) =	sbr.rel $0x88, $3  }
0x1: {  	(tag) =	ssettag $0x0;
	lr =	simm.s32 $0x1  }
0x2: {  	[smem:$0x3F9C] =	sst lr;
	_ =	strace $0xD0000000  }
0x3: {  	_ = 	snop  }
0x4: {  	_ = 	snop  }
0x5: {  	_ = 	snop  }
0x6: {  	_ = 	snop  }
0x7: {  	_ = 	snop  }
__scs_overlays_trampoline_lowered:
0x8: {  	[smem:$0x3FAB] =	sst s0  }
0x9: {  	[smem:$0x3FAC] =	sst s1  }
0xa: {  	[smem:$0x3FAD] =	sst s2  }
0xb: {  	[smem:$0x3FAE] =	sst s3  }
0xc: {  	[smem:$0x3FAF] =	sst s4  }
0xd: {  	[smem:$0x3FB0] =	sst s5  }
0xe: {  	[smem:$0x3FB1] =	sst s6  }
0xf: {  	[smem:$0x3FB2] =	sst s7  }
0x10: {  	[smem:$0x3FB3] =	sst s8  }
0x11: {  	[smem:$0x3FB4] =	sst s9;
	s0 =	simm.s32 @!p0 $0x0  }
0x12: {  	s1 =	sld [smem:$0x3F9A];
	s0 =	simm.s32 @p0 $0x1  }
0x13: {  	[smem:$0x3FB5] =	sst s0;
	s0 =	simm.s32 @!p1 $0x0  }
0x14: {  	s2 =	sld [smem:$0x3F99];
	s0 =	simm.s32 @p1 $0x1  }
0x15: {  	[smem:$0x3FB6] =	sst s0;
	s0 =	simm.s32 @!p2 $0x0  }
0x16: {  	s3 =	sld [smem:$0x3FDB];
	s0 =	simm.s32 @p2 $0x1  }
0x17: {  	s4 =	simm.s32 $0x1BF5;
	[smem:$0x3FB8] =	sst s0  }
0x18: {  	s0 =	sld [smem:$0x3F9B];
	_ =	swait.ge [sflag:s4], $0x0  }
0x19: {  	s7 =	sld [smem:$0x3F9C]  }
0x1a: {  	s8 =	sadd.s32 $0xFFFFE003, lr  }
0x1b: {  	s9 =	sadd.s32 $0xFFFFFEF7, lr;
	s5 =	simm.s32 $0xFFFFFFFF;
	p2 =	slt.u32 s8, $0xFFFFF086  }
0x1c: {  	p1 =	slt.u32 s9, $0xF7A;
	s5 =	simm.s32 @!p2 $0x0  }
0x1d: {  	s5 =	simm.s32 @p1 $0x1;
	p0 =	seq.s32 s7, s2  }
0x1e: {  	s7 =	smul.u32 @!p0 $0xF7A, s2;
	p2 =	seq.s32 @!p0 s5, $0x0  }
0x1f: {  	s9 =	smul.u32 $0xF7A, s1;
	s8 =	simm.s32 @!p0 $0x1BF5;
	p2 =	por !p2, p0  }
0x20: {  	[sflag:s8] =	ssyncset.s32 @!p0 $0xFFFFF086;
	s6 =	sadd.s32 @!p0 s3, s7;
	s7 =	simm.s32 @!p0 $0x108  }
0x21: {  	s3 =	sadd.s32 s3, s9;
	s6 =	sadd.s32 @!p0 $0x88, s6;
	s7 =	simm.s32 @p2 $0x1082  }
0x22: {  	[simem:s7], [sflag:s8] =	dma.local @!p0 [hbm:s6], $0xF7A  }
0x23: {  	s9 =	sor.u32 $0xD0000000, s2;
	s6 =	simm.s32 $0x108;
	_ =	swait.ge @!p0 [sflag:s8], $0x0  }
0x24: {  	s3 =	sadd.s32 $0x88, s3;
	s6 =	simm.s32 @!p1 $0x1082;
	[sflag:s4] =	ssyncset.s32 $0xFFFFF086  }
0x25: {  	[simem:s6], [sflag:s4] =	dma.local [hbm:s3], $0xF7A  }
0x26: {  	[smem:$0x3F9C] =	sst s1;
	(tag) =	ssettag s2;
	_ =	strace s9  }
0x27: {  	s1 =	sld [smem:$0x3FAC]  }
0x28: {  	s2 =	sld [smem:$0x3FAD]  }
0x29: {  	s4 =	sld [smem:$0x3FAF]  }
0x2a: {  	p0 =	seq.s32 s5, $0x0;
	s5 =	sld [smem:$0x3FB0]  }
0x2b: {  	s6 =	sld [smem:$0x3FB1]  }
0x2c: {  	s7 =	sld [smem:$0x3FB2]  }
0x2d: {  	s3 =	simm.s32 $0x108;
	s8 =	sld [smem:$0x3FB3]  }
0x2e: {  	s3 =	simm.s32 @!p0 $0x1082;
	s9 =	sld [smem:$0x3FB4]  }
0x2f: {  	lr =	sadd.s32 s0, s3;
	s0 =	sld [smem:$0x3FAB]  }
0x30: {  	s3 =	sld [smem:$0x3FAE]  }
0x31: {  	[smem:$0x3FB7] =	sst s10  }
0x32: {  	s10 =	sld [smem:$0x3FB5];
	_ =	sdelay $0x3  }
0x33: {  	p0 =	seq.s32 s10, $0x1;
	s10 =	sld [smem:$0x3FB7];
	_ =	sdelay $0x3  }
0x34: {  	[smem:$0x3FB7] =	sst s10  }
0x35: {  	s10 =	sld [smem:$0x3FB6];
	_ =	sdelay $0x3  }
0x36: {  	p1 =	seq.s32 s10, $0x1;
	s10 =	sld [smem:$0x3FB7];
	_ =	sdelay $0x3  }
0x37: {  	[smem:$0x3FB7] =	sst s10  }
0x38: {  	s10 =	sld [smem:$0x3FB8]  }
0x39: {  	_ = 	snop;
	(pc) =	sbr.ind lr, $3  }
0x3a: {  	_ = 	snop  }
0x3b: {  	_ = 	snop  }
0x3c: {  	p2 =	seq.s32 s10, $0x1;
	s10 =	sld [smem:$0x3FB7]  }
0x3d: {  	_ =	shalt  }
0x3e: {  	_ =	shalt  }
0x3f: {  	_ =	shalt  }
0x40: {  	_ =	shalt  }
0x41: {  	_ =	shalt  }
0x42: {  	_ =	shalt  }
0x43: {  	_ =	shalt  }
0x44: {  	_ =	shalt  }
0x45: {  	_ =	shalt  }
0x46: {  	_ =	shalt  }
0x47: {  	_ =	shalt  }
0x48: {  	_ =	shalt  }
0x49: {  	_ =	shalt  }
0x4a: {  	_ =	shalt  }
0x4b: {  	_ =	shalt  }
0x4c: {  	_ =	shalt  }
0x4d: {  	_ =	shalt  }
0x4e: {  	_ =	shalt  }
0x4f: {  	_ =	shalt  }
0x50: {  	_ =	shalt  }
0x51: {  	_ =	shalt  }
0x52: {  	_ =	shalt  }
0x53: {  	_ =	shalt  }
0x54: {  	_ =	shalt  }
0x55: {  	_ =	shalt  }
0x56: {  	_ =	shalt  }
0x57: {  	_ =	shalt  }
0x58: {  	_ =	shalt  }
0x59: {  	_ =	shalt  }
0x5a: {  	_ =	shalt  }
0x5b: {  	_ =	shalt  }
0x5c: {  	_ =	shalt  }
0x5d: {  	_ =	shalt  }
0x5e: {  	_ =	shalt  }
0x5f: {  	_ =	shalt  }
0x60: {  	_ =	shalt  }
0x61: {  	_ =	shalt  }
0x62: {  	_ =	shalt  }
0x63: {  	_ =	shalt  }
0x64: {  	_ =	shalt  }
0x65: {  	_ =	shalt  }
0x66: {  	_ =	shalt  }
0x67: {  	_ =	shalt  }
0x68: {  	_ =	shalt  }
0x69: {  	_ =	shalt  }
0x6a: {  	_ =	shalt  }
0x6b: {  	_ =	shalt  }
0x6c: {  	_ =	shalt  }
0x6d: {  	_ =	shalt  }
0x6e: {  	_ =	shalt  }
0x6f: {  	_ =	shalt  }
0x70: {  	_ =	shalt  }
0x71: {  	_ =	shalt  }
0x72: {  	_ =	shalt  }
0x73: {  	_ =	shalt  }
0x74: {  	_ =	shalt  }
0x75: {  	_ =	shalt  }
0x76: {  	_ =	shalt  }
0x77: {  	_ =	shalt  }
0x78: {  	_ =	shalt  }
0x79: {  	_ =	shalt  }
0x7a: {  	_ =	shalt  }
0x7b: {  	_ =	shalt  }
0x7c: {  	_ =	shalt  }
0x7d: {  	_ =	shalt  }
0x7e: {  	_ =	shalt  }
0x7f: {  	_ =	shalt  }
0x80: {  	_ =	shalt  }
0x81: {  	_ =	shalt  }
0x82: {  	_ =	shalt  }
0x83: {  	_ =	shalt  }
0x84: {  	_ =	shalt  }
0x85: {  	_ =	shalt  }
0x86: {  	_ =	shalt  }
0x87: {  	_ =	shalt  }
.Lfunc_end0:
.L_simem_size_0:
called_computation_lowered:
.L_overlay_start_0:
0x88: {  	s2 =	sld [smem:$0x3FD9]  }
0x89: {  	s3 =	sld [smem:$0x3FFE];
	_ =	sdelay $0x1  }
0x8a: {  	s1 =	srdreg.scid  }
0x8b: {  	s0 =	sand.u32 $0x1, s1  }
0x8c: {  	s17 =	sshll.u32 s0, $0xA;
	s2 =	sadd.s32 s3, s2  }
0x8d: {  	s2 =	sadd.s32 s2, s17  }
0x8e: {  	[smem:$0x3FC3] =	sst s2  }
0x8f: {  	_ = 	snop  }
0x90: {  	s2 =	sld [smem:$0x3FD0];
	(tm) =	ssettm $0x1  }
0x91: {  	s18 =	sld [smem:$0x3FFB];
	_ =	sdelay $0x3  }
0x92: {  	_ =	strace s18  }
0x93: {  	s3 =	sld [smem:$0x3FFC];
	_ =	sdelay $0x3  }
0x94: {  	_ =	strace s3  }
0x95: {  	s3 =	sld [smem:$0x3FFD];
	_ =	sdelay $0x3  }
0x96: {  	_ =	strace s3  }
0x97: {  	_ =	strace $0x8FFFFFFF  }
0x98: {  	s19 =	sld [smem:$0x3FDB];
	_ =	sdelay $0x1  }
0x99: {  	s4 =	simm.s32 $_scs_section_size  }
0x9a: {  	s5 =	simm.s32 $_size__tile_overlayer_lowered;
	s6 =	simm.s32 $_tile_overlayer_lowered  }
0x9b: {  	s22 =	simm.s32 $0x1BFF;
	s21 =	sshll.u32 s6, $0x1;
	s3 =	sadd.s32 s4, s19  }
0x9c: {  	s7 =	simm.s32 $0x0;
	s20 =	sshll.u32 s5, $0x1;
	s5 =	sadd.s32 s21, s3  }
0x9d: {  	[timem:s7], [sflag:s22] =	dma.local [hbm:s5], s20  }
0x9e: {  	_ =	swait.ge [sflag:s22], s20  }
0x9f: {  	s4 =	ssub.s32 $0x0, s20;
	[sflag:s22] =	ssyncset.done $0x0  }
0xa0: {  	[sflag:s22] =	ssyncadd.s32 s4;
	_ =	sdelay $0x1  }
0xa1: {  	s23 =	simm.s32 $0x1B8B  }
0xa2: {  	_ =	swait.ge [sflag:s23], $0x1  }
0xa3: {  	[sflag:s23] =	ssyncset.done $0x0  }
0xa4: {  	s25 =	simm.s32 $0x1B8E;
	s24 =	sld [smem:$0x3FFE];
	[sflag:s23] =	ssyncadd.s32 $0xFFFFFFFF  }
0xa5: {  	s26 =	simm.s32 $execute0_lowered;
	[smem:$0x3FD2] =	sst s25  }
0xa6: {  	s5 =	sshll.u32 s26, $0x1;
	_ =	strace $0x80000046;
	[dreg:$0x1] =	wrdreg $0xFFFFFFFF  }
0xa7: {  	s28 =	simm.s32 $_size_execute0_lowered;
	s3 =	sadd.s32 s3, s5;
	[dreg:$0x0] =	wrdreg $0x0  }
0xa8: {  	s5 =	sshll.u32 s28, $0x1;
	[dreg:$0x2] =	wrdreg s3  }
0xa9: {  	[dreg:$0x3] =	wrdreg s5  }
0xaa: {  	[dreg:$0x4] =	wrdreg $0xC0  }
0xab: {  	_ =	task [dreg:s7], $0x5FFFF  }
0xac: {  	[dreg:$0x1] =	wrdreg $0xFFFFFFFF  }
0xad: {  	[dreg:$0x0] =	wrdreg $0x60  }
0xae: {  	[dreg:$0x2] =	wrdreg s2  }
0xaf: {  	[dreg:$0x3] =	wrdreg s24  }
0xb0: {  	[dreg:$0x4] =	wrdreg $0x53000  }
0xb1: {  	[dreg:$0x5] =	wrdreg $0xF3000  }
0xb2: {  	[dreg:$0x6] =	wrdreg $0x9  }
0xb3: {  	_ =	task.clear_ibuf [dreg:s7], $0x7FFFF;
	_ =	strace $0x90000046  }
0xb4: {  	s29 =	simm.s32 $0x9;
	_ =	strace $0x80000048  }
0xb5: {  	_ =	swait.ge [sflag:s29], $0x1  }
0xb6: {  	[sflag:s29] =	ssyncadd.s32 $0xFFFFFFFF  }
0xb7: {  	_ =	strace $0x90000048  }
0xb8: {  	_ =	sfence  }
0xb9: {  	s30 =	sld [smem:$0x0];
	_ =	sdelay $0x2  }
0xba: {  	s31 =	sshll.u32 s1, $0xD;
	s1 =	sshrl.u32 s1, $0x2  }
0xbb: {  	s3 =	sand.u32 $0x4000, s31;
	s1 =	sadd.s32 s1, s30  }
0xbc: {  	s0 =	sor.u32 s3, s0;
	s1 =	sshll.u32 s1, $0x11  }
0xbd: {  	s0 =	sor.u32 s1, s0  }
0xbe: {  	s0 =	sadd.s32 $0x8F2B, s0  }
0xbf: {  	[sflag:s0] =	ssyncadd.remote.s32 $0x1  }
0xc0: {  	_ =	sfence.sel $0xFFFF  }
0xc1: {  	[dreg:$0x0] =	wrdreg $0xFFFFFFFF;
	(pc) =	sbr.abs _section_cstart, $3  }
0xc2: {  	[dreg:$0x1] =	wrdreg $0xFFFFFFFF  }
0xc3: {  	_ =	task.clear_ibuf [dreg:s7], $0x2FFFF;
	_ =	strace $0x9FFFFFFF  }
0xc4: {  	(tm) =	ssettm $0x7FFFFFFF  }
0xc5: {  	_ =	shalt  }
tec
execute0_lowered:
.L_overlay_start_1:
0x0: {  	(tag) =	ssettag $0x1  }
0x1: {  	s1 =	rddreg [dreg:$0x0]  }
0x2: {  	s0 =	rddreg [dreg:$0x1]  }
0x3: {  	s3 =	rddreg [dreg:$0x2]  }
0x4: {  	s2 =	srdreg.scid;
	s6 =	stileid.u32  }
0x5: {  	s4 =	rddreg [dreg:$0x3];
	s7 =	simm.s32 $0x0;
	s5 =	smul.u32 $0x14000, s6  }
0x6: {  	s28 =	simm.s32 $0x5000;
	s30 =	simm.s32 $0x2;
	s9 =	smul.u32 $0x280, s6  }
0x7: {  	s29 =	simm.s32 $0xB00;
	s2 =	sand.u32 $0x1, s2;
	s13 =	smul.u32 $0x28000, s6  }
0x8: {  	[smem:$0x7FF] =	sst s7;
	s19 =	sadd.s32 $0xB200, s0;
	s21 =	smul.u32 $0x2800, s6  }
0x9: {  	s23 =	sadd.s32 $0x1200, s0;
	s8 =	smul.u32 $0x140000, s2;
	s11 =	ssub.s32 $0x2, s2  }
0xa: {  	_ =	strace $0x80000047;
	s10 =	smul.u32 $0x2800, s2;
	s12 =	sshrl.u32 s11, $0x1  }
0xb: {  	s14 =	sshrl.u32 s13, $0x2;
	s18 =	sadd.s32 s9, s4;
	s13 =	simm.s32 $0xA80  }
0xc: {  	s8 =	sadd.s32 s5, s8;
	s10 =	sadd.s32 s9, s10;
	s26 =	ssub.s32 s11, s12  }
0xd: {  	s12 =	sshll.u32 s2, $0x4;
	s5 =	sshrl.u32 s5, $0x1;
	s15 =	sadd.s32 s14, s3  }
0xe: {  	s2 =	smul.u32 $0x28000, s2;
	[dreg:$0xb] =	wrdreg s18;
	s9 =	simm.s32 $0x800  }
0xf: {  	s18 =	simm.s32 $0xA00;
	s14 =	simm.s32 $0xF80;
	s8 =	sshrl.u32 s8, $0x4  }
0x10: {  	s10 =	sshrl.u32 s10, $0x3;
	s11 =	sor.u32 s6, s12;
	s12 =	sadd.s32 $0x2000, s15  }
0x11: {  	s31 =	sadd.s32 s5, s3;
	s16 =	sadd.s32 $0x4000, s15;
	[dreg:$0x7] =	wrdreg s12  }
0x12: {  	s17 =	sadd.s32 $0x6000, s15;
	s5 =	sadd.s32 $0x8000, s15;
	[dreg:$0x8] =	wrdreg s16  }
0x13: {  	s25 =	smax.u32 s26, $0x1;
	s15 =	simm.s32 $0xE00;
	[dreg:$0x9] =	wrdreg s17  }
0x14: {  	s8 =	sadd.s32 s8, s0;
	s0 =	sadd.s32 s10, s0;
	[dreg:$0xa] =	wrdreg s5  }
0x15: {  	s11 =	smul.u32 $0x2800, s11;
	[dreg:$0x10] =	wrdreg s25;
	s26 =	sadd.s32 s21, s2  }
0x16: {  	s21 =	simm.s32 $0x3;
	s25 =	simm.s32 $0x3000;
	[dreg:$0x6] =	wrdreg s31  }
0x17: {  	s16 =	simm.s32 $0x980;
	s12 =	simm.s32 $0xC00;
	s24 =	sadd.s32 $0x15200, s8  }
0x18: {  	s17 =	simm.s32 $0xC80;
	s0 =	sadd.s32 $0x3D200, s0;
	[dreg:$0xe] =	wrdreg s24  }
0x19: {  	s10 =	simm.s32 $0xD80;
	s20 =	sshrl.u32 s11, $0x3;
	[dreg:$0xf] =	wrdreg s0  }
0x1a: {  	s0 =	sadd.s32 $0x800, s26;
	s24 =	simm.s32 $0x80;
	s26 =	simm.s32 $0x1  }
0x1b: {  	s11 =	simm.s32 $0xF00;
	s22 =	sadd.s32 s19, s20;
	[dreg:$0x11] =	wrdreg s0  }
0x1c: {  	s5 =	sadd.s32 s23, s20;
	s20 =	simm.s32 $0x1000;
	[dreg:$0xc] =	wrdreg s22  }
0x1d: {  	v0 =	vimm.bf16 $0.0e+00;
	v1 =	vimm.f32 $0.0e+00;
	v2 =	vimm.f32 $1.000000000e+00;
	s0 =	simm.s32 $0xB80;
	[dreg:$0xd] =	wrdreg s5;
	s5 =	simm.s32 $0xD00  }
.LBB2_1:
0x1e: {  	[dreg:$0x5] =	wrdreg s7;
	s2 =	simm.s32 $0x100;
	s8 =	simm.s32 $0x0  }
.LBB2_2:
0x1f: {  	p0 =	sne.s32 s2, $0x7F00;
	[tilespmem:s8+$0x1030] =	vst v0;
	s6 =	smov.u32 s2;
	s2 =	sadd.s32 $0x100, s2  }
.Ltmp0:
0x20: {  	[tilespmem:s8+$0x1020] =	vst v0;
	(pc) =	sbr.rel @p0 .LBB2_2-.Ltmp0, $3  }
0x21: {  	[tilespmem:s8+$0x1000] =	vst v0  }
0x22: {  	[tilespmem:s8+$0x1010] =	vst v0;
	_ =	sdelay $0x1  }
0x23: {  	s8 =	sshra.s32 s6, $0x2  }
0x24: {  	[tilespmem:s8+$0x1030] =	vst v0  }
0x25: {  	[tilespmem:s8+$0x1020] =	vst v0  }
0x26: {  	[tilespmem:s8+$0x1000] =	vst v0  }
0x27: {  	[tilespmem:s8+$0x1010] =	vst v0  }
0x28: {  	[spmem:s31] =	stream.linear.scatter [tilespmem:s20], [sflag:$0x3], $0x2000, $0x38;
	[tilespmem:$0xF580] =	vst v63  }
0x29: {  	_ =	swait.ge [sflag:s21], $0x2000  }
0x2a: {  	[sflag:s21] =	ssyncset.done $0x0  }
0x2b: {  	s2 =	rddreg [dreg:$0x7];
	[sflag:s21] =	ssyncadd.s32 $0xFFFFE000  }
0x2c: {  	[spmem:s2] =	stream.linear.scatter [tilespmem:s20], [sflag:$0x3], $0x2000, $0x38;
	[tilespmem:$0xF580] =	vst v63  }
0x2d: {  	_ =	swait.ge [sflag:s21], $0x2000  }
0x2e: {  	[sflag:s21] =	ssyncset.done $0x0  }
0x2f: {  	s31 =	rddreg [dreg:$0x8];
	[sflag:s21] =	ssyncadd.s32 $0xFFFFE000  }
0x30: {  	[spmem:s31] =	stream.linear.scatter [tilespmem:s20], [sflag:$0x3], $0x2000, $0x38;
	[tilespmem:$0xF580] =	vst v63  }
0x31: {  	_ =	swait.ge [sflag:s21], $0x2000  }
0x32: {  	[sflag:s21] =	ssyncset.done $0x0  }
0x33: {  	s6 =	rddreg [dreg:$0x9];
	[sflag:s21] =	ssyncadd.s32 $0xFFFFE000  }
0x34: {  	[spmem:s6] =	stream.linear.scatter [tilespmem:s20], [sflag:$0x3], $0x2000, $0x38;
	[tilespmem:$0xF580] =	vst v63  }
0x35: {  	_ =	swait.ge [sflag:s21], $0x2000  }
0x36: {  	[sflag:s21] =	ssyncset.done $0x0  }
0x37: {  	s7 =	rddreg [dreg:$0xa];
	[sflag:s21] =	ssyncadd.s32 $0xFFFFE000  }
0x38: {  	[spmem:s7] =	stream.linear.scatter [tilespmem:s20], [sflag:$0x3], $0x2000, $0x38;
	[tilespmem:$0xF580] =	vst v63  }
0x39: {  	_ =	swait.ge [sflag:s21], $0x2000  }
0x3a: {  	[sflag:s21] =	ssyncset.done $0x0  }
0x3b: {  	[sflag:s21] =	ssyncadd.s32 $0xFFFFE000  }
0x3c: {  	[tilespmem:$0x5080] =	vst v1  }
0x3d: {  	[tilespmem:$0x5090] =	vst v1  }
0x3e: {  	[tilespmem:$0x50A0] =	vst v1  }
0x3f: {  	[tilespmem:$0x50B0] =	vst v1  }
0x40: {  	[tilespmem:$0x50C0] =	vst v1  }
0x41: {  	[tilespmem:$0x50D0] =	vst v1  }
0x42: {  	[tilespmem:$0x50E0] =	vst v1  }
0x43: {  	[tilespmem:$0x50F0] =	vst v1  }
0x44: {  	[tilespmem:$0x5100] =	vst v1  }
0x45: {  	[tilespmem:$0x5110] =	vst v1  }
0x46: {  	[tilespmem:$0x5120] =	vst v1  }
0x47: {  	[tilespmem:$0x5130] =	vst v1  }
0x48: {  	[tilespmem:$0x5140] =	vst v1  }
0x49: {  	[tilespmem:$0x5150] =	vst v1  }
0x4a: {  	[tilespmem:$0x5160] =	vst v1  }
0x4b: {  	[tilespmem:$0x5170] =	vst v1  }
0x4c: {  	[tilespmem:$0x5180] =	vst v1  }
0x4d: {  	[tilespmem:$0x5190] =	vst v1  }
0x4e: {  	[tilespmem:$0x51A0] =	vst v1  }
0x4f: {  	[tilespmem:$0x51B0] =	vst v1  }
0x50: {  	[tilespmem:$0x51C0] =	vst v1  }
0x51: {  	[tilespmem:$0x51D0] =	vst v1  }
0x52: {  	[tilespmem:$0x51E0] =	vst v1  }
0x53: {  	[tilespmem:$0x51F0] =	vst v1  }
0x54: {  	[tilespmem:$0x5200] =	vst v1  }
0x55: {  	[tilespmem:$0x5210] =	vst v1  }
0x56: {  	[tilespmem:$0x5220] =	vst v1  }
0x57: {  	[tilespmem:$0x5230] =	vst v1  }
0x58: {  	[tilespmem:$0x5240] =	vst v1  }
0x59: {  	[tilespmem:$0x5250] =	vst v1  }
0x5a: {  	[tilespmem:$0x5260] =	vst v1  }
0x5b: {  	[tilespmem:$0x5270] =	vst v1  }
0x5c: {  	[tilespmem:$0x5280] =	vst v1  }
0x5d: {  	[tilespmem:$0x5290] =	vst v1  }
0x5e: {  	[tilespmem:$0x52A0] =	vst v1  }
0x5f: {  	[tilespmem:$0x52B0] =	vst v1  }
0x60: {  	[tilespmem:$0x52C0] =	vst v1  }
0x61: {  	[tilespmem:$0x52D0] =	vst v1  }
0x62: {  	[tilespmem:$0x52E0] =	vst v1  }
0x63: {  	s6 =	simm.s32 $0x5080;
	s8 =	rddreg [dreg:$0xb];
	[tilespmem:$0x52F0] =	vst v1  }
0x64: {  	[spmem:s8] =	stream.linear.scatter [tilespmem:s6], [sflag:$0x3], $0x280, $0x38;
	[tilespmem:$0xF580] =	vst v63  }
0x65: {  	_ =	swait.ge [sflag:s21], $0x280  }
0x66: {  	[sflag:s21] =	ssyncset.done $0x0  }
0x67: {  	[sflag:s21] =	ssyncadd.s32 $0xFFFFFD80  }
0x68: {  	[tilespmem:$0x5000] =	vst v2  }
0x69: {  	[tilespmem:$0x5010] =	vst v2  }
0x6a: {  	[tilespmem:$0x5020] =	vst v2  }
0x6b: {  	[tilespmem:$0x5030] =	vst v2  }
0x6c: {  	[tilespmem:$0x5040] =	vst v2  }
0x6d: {  	[tilespmem:$0x5050] =	vst v2  }
0x6e: {  	[tilespmem:$0x5060] =	vst v2  }
0x6f: {  	s8 =	simm.s32 $0x0;
	s22 =	rddreg [dreg:$0xc];
	[tilespmem:$0x5070] =	vst v2  }
0x70: {  	[tilespmem:s8], [sflag:$0x3] =	stream.linear.gather [hbm4b:s22+s8], $0x800, $0x38;
	[tilespmem:$0xF580] =	vst v63  }
0x71: {  	_ =	swait.ge [sflag:s21], $0x800  }
0x72: {  	[sflag:s21] =	ssyncset.done $0x0  }
0x73: {  	s31 =	rddreg [dreg:$0xd];
	[sflag:s21] =	ssyncadd.s32 $0xFFFFF800  }
0x74: {  	[tilespmem:s9], [sflag:$0x3] =	stream.linear.gather [hbm4b:s31+s8], $0x800, $0x38;
	[tilespmem:$0xF580] =	vst v63  }
0x75: {  	_ =	swait.ge [sflag:s21], $0x800  }
0x76: {  	[sflag:s21] =	ssyncset.done $0x0  }
0x77: {  	[sflag:s21] =	ssyncadd.s32 $0xFFFFF800  }
0x78: {  	[bflag:$0x0] =	sbarrier.arrive $0xFFFF  }
0x79: {  	[tilespmem:s20], [sflag:$0x1] =	stream.indirect.gather [hbm4b:s1+s24], $0x40, s8, s24, $0xb8;
	[tilespmem:$0xF580] =	vst v63  }
0x7a: {  	s9 =	simm.s32 $0xE80;
	s22 =	rddreg [dreg:$0x11]  }
.LBB2_4:
0x7b: {  	[tilespmem:s25], [sflag:$0x2] =	stream.indirect.gather [hbm4b:s1+s24], $0x40, s24, s24, $0xb8;
	[tilespmem:$0xF580] =	vst v63  }
0x7c: {  	_ =	swait.ge [sflag:s26], $0x2000  }
0x7d: {  	[sflag:s26] =	ssyncset.done $0x0  }
0x7e: {  	s2 =	simm.s32 $0x800;
	[sflag:s26] =	ssyncadd.s32 $0xFFFFE000  }
0x7f: {  	[spmem:s3] =	stream.indirect.scatter.add.bf16 [tilespmem:s20], [sflag:$0x3], $0x40, s2, s24, $0xb8;
	[tilespmem:$0xF580] =	vst v63  }
0x80: {  	_ =	swait.ge [sflag:s21], $0x2000  }
0x81: {  	[sflag:s21] =	ssyncset.done $0x0  }
0x82: {  	[sflag:s21] =	ssyncadd.s32 $0xFFFFE000  }
0x83: {  	[spmem:s4] =	stream.indirect.scatter.add.f32 [tilespmem:s28], [sflag:$0x3], $0x1, s2, s24, $0xb8;
	[tilespmem:$0xF580] =	vst v63  }
0x84: {  	_ =	swait.ge [sflag:s21], $0x80  }
0x85: {  	[sflag:s21] =	ssyncset.done $0x0  }
0x86: {  	s31 =	simm.s32 $0x100;
	[sflag:s21] =	ssyncadd.s32 $0xFFFFFF80  }
0x87: {  	[tilespmem:s20], [sflag:$0x1] =	stream.indirect.gather [hbm4b:s1+s24], $0x40, s31, s24, $0xb8;
	[tilespmem:$0xF580] =	vst v63  }
0x88: {  	_ =	swait.ge [sflag:s30], $0x2000  }
0x89: {  	[sflag:s30] =	ssyncset.done $0x0  }
0x8a: {  	s6 =	simm.s32 $0x880;
	[sflag:s30] =	ssyncadd.s32 $0xFFFFE000  }
0x8b: {  	[spmem:s3] =	stream.indirect.scatter.add.bf16 [tilespmem:s25], [sflag:$0x3], $0x40, s6, s24, $0xb8;
	[tilespmem:$0xF580] =	vst v63  }
0x8c: {  	_ =	swait.ge [sflag:s21], $0x2000  }
0x8d: {  	[sflag:s21] =	ssyncset.done $0x0  }
0x8e: {  	[sflag:s21] =	ssyncadd.s32 $0xFFFFE000  }
0x8f: {  	[spmem:s4] =	stream.indirect.scatter.add.f32 [tilespmem:s28], [sflag:$0x3], $0x1, s6, s24, $0xb8;
	[tilespmem:$0xF580] =	vst v63  }
0x90: {  	_ =	swait.ge [sflag:s21], $0x80  }
0x91: {  	[sflag:s21] =	ssyncset.done $0x0  }
0x92: {  	s7 =	simm.s32 $0x180;
	[sflag:s21] =	ssyncadd.s32 $0xFFFFFF80  }
0x93: {  	[tilespmem:s25], [sflag:$0x2] =	stream.indirect.gather [hbm4b:s1+s24], $0x40, s7, s24, $0xb8;
	[tilespmem:$0xF580] =	vst v63  }
0x94: {  	_ =	swait.ge [sflag:s26], $0x2000  }
0x95: {  	[sflag:s26] =	ssyncset.done $0x0  }
0x96: {  	s31 =	simm.s32 $0x900;
	[sflag:s26] =	ssyncadd.s32 $0xFFFFE000  }
0x97: {  	[spmem:s3] =	stream.indirect.scatter.add.bf16 [tilespmem:s20], [sflag:$0x3], $0x40, s31, s24, $0xb8;
	[tilespmem:$0xF580] =	vst v63  }
0x98: {  	_ =	swait.ge [sflag:s21], $0x2000  }
0x99: {  	[sflag:s21] =	ssyncset.done $0x0  }
0x9a: {  	[sflag:s21] =	ssyncadd.s32 $0xFFFFE000  }
0x9b: {  	[spmem:s4] =	stream.indirect.scatter.add.f32 [tilespmem:s28], [sflag:$0x3], $0x1, s31, s24, $0xb8;
	[tilespmem:$0xF580] =	vst v63  }
0x9c: {  	_ =	swait.ge [sflag:s21], $0x80  }
0x9d: {  	[sflag:s21] =	ssyncset.done $0x0  }
0x9e: {  	s6 =	simm.s32 $0x200;
	[sflag:s21] =	ssyncadd.s32 $0xFFFFFF80  }
0x9f: {  	[tilespmem:s20], [sflag:$0x1] =	stream.indirect.gather [hbm4b:s1+s24], $0x40, s6, s24, $0xb8;
	[tilespmem:$0xF580] =	vst v63  }
0xa0: {  	_ =	swait.ge [sflag:s30], $0x2000  }
0xa1: {  	[sflag:s30] =	ssyncset.done $0x0  }
0xa2: {  	[sflag:s30] =	ssyncadd.s32 $0xFFFFE000  }
0xa3: {  	[spmem:s3] =	stream.indirect.scatter.add.bf16 [tilespmem:s25], [sflag:$0x3], $0x40, s16, s24, $0xb8;
	[tilespmem:$0xF580] =	vst v63  }
0xa4: {  	_ =	swait.ge [sflag:s21], $0x2000  }
0xa5: {  	[sflag:s21] =	ssyncset.done $0x0  }
0xa6: {  	[sflag:s21] =	ssyncadd.s32 $0xFFFFE000  }
0xa7: {  	[spmem:s4] =	stream.indirect.scatter.add.f32 [tilespmem:s28], [sflag:$0x3], $0x1, s16, s24, $0xb8;
	[tilespmem:$0xF580] =	vst v63  }
0xa8: {  	_ =	swait.ge [sflag:s21], $0x80  }
0xa9: {  	[sflag:s21] =	ssyncset.done $0x0  }
0xaa: {  	s7 =	simm.s32 $0x280;
	[sflag:s21] =	ssyncadd.s32 $0xFFFFFF80  }
0xab: {  	[tilespmem:s25], [sflag:$0x2] =	stream.indirect.gather [hbm4b:s1+s24], $0x40, s7, s24, $0xb8;
	[tilespmem:$0xF580] =	vst v63  }
0xac: {  	_ =	swait.ge [sflag:s26], $0x2000  }
0xad: {  	[sflag:s26] =	ssyncset.done $0x0  }
0xae: {  	[sflag:s26] =	ssyncadd.s32 $0xFFFFE000  }
0xaf: {  	[spmem:s3] =	stream.indirect.scatter.add.bf16 [tilespmem:s20], [sflag:$0x3], $0x40, s18, s24, $0xb8;
	[tilespmem:$0xF580] =	vst v63  }
0xb0: {  	_ =	swait.ge [sflag:s21], $0x2000  }
0xb1: {  	[sflag:s21] =	ssyncset.done $0x0  }
0xb2: {  	[sflag:s21] =	ssyncadd.s32 $0xFFFFE000  }
0xb3: {  	[spmem:s4] =	stream.indirect.scatter.add.f32 [tilespmem:s28], [sflag:$0x3], $0x1, s18, s24, $0xb8;
	[tilespmem:$0xF580] =	vst v63  }
0xb4: {  	_ =	swait.ge [sflag:s21], $0x80  }
0xb5: {  	[sflag:s21] =	ssyncset.done $0x0  }
0xb6: {  	s31 =	simm.s32 $0x300;
	[sflag:s21] =	ssyncadd.s32 $0xFFFFFF80  }
0xb7: {  	[tilespmem:s20], [sflag:$0x1] =	stream.indirect.gather [hbm4b:s1+s24], $0x40, s31, s24, $0xb8;
	[tilespmem:$0xF580] =	vst v63  }
0xb8: {  	_ =	swait.ge [sflag:s30], $0x2000  }
0xb9: {  	[sflag:s30] =	ssyncset.done $0x0  }
0xba: {  	[sflag:s30] =	ssyncadd.s32 $0xFFFFE000  }
0xbb: {  	[spmem:s3] =	stream.indirect.scatter.add.bf16 [tilespmem:s25], [sflag:$0x3], $0x40, s13, s24, $0xb8;
	[tilespmem:$0xF580] =	vst v63  }
0xbc: {  	_ =	swait.ge [sflag:s21], $0x2000  }
0xbd: {  	[sflag:s21] =	ssyncset.done $0x0  }
0xbe: {  	[sflag:s21] =	ssyncadd.s32 $0xFFFFE000  }
0xbf: {  	[spmem:s4] =	stream.indirect.scatter.add.f32 [tilespmem:s28], [sflag:$0x3], $0x1, s13, s24, $0xb8;
	[tilespmem:$0xF580] =	vst v63  }
0xc0: {  	_ =	swait.ge [sflag:s21], $0x80  }
0xc1: {  	[sflag:s21] =	ssyncset.done $0x0  }
0xc2: {  	s6 =	simm.s32 $0x380;
	[sflag:s21] =	ssyncadd.s32 $0xFFFFFF80  }
0xc3: {  	[tilespmem:s25], [sflag:$0x2] =	stream.indirect.gather [hbm4b:s1+s24], $0x40, s6, s24, $0xb8;
	[tilespmem:$0xF580] =	vst v63  }
0xc4: {  	_ =	swait.ge [sflag:s26], $0x2000  }
0xc5: {  	[sflag:s26] =	ssyncset.done $0x0  }
0xc6: {  	[sflag:s26] =	ssyncadd.s32 $0xFFFFE000  }
0xc7: {  	[spmem:s3] =	stream.indirect.scatter.add.bf16 [tilespmem:s20], [sflag:$0x3], $0x40, s29, s24, $0xb8;
	[tilespmem:$0xF580] =	vst v63  }
0xc8: {  	_ =	swait.ge [sflag:s21], $0x2000  }
0xc9: {  	[sflag:s21] =	ssyncset.done $0x0  }
0xca: {  	[sflag:s21] =	ssyncadd.s32 $0xFFFFE000  }
0xcb: {  	[spmem:s4] =	stream.indirect.scatter.add.f32 [tilespmem:s28], [sflag:$0x3], $0x1, s29, s24, $0xb8;
	[tilespmem:$0xF580] =	vst v63  }
0xcc: {  	_ =	swait.ge [sflag:s21], $0x80  }
0xcd: {  	[sflag:s21] =	ssyncset.done $0x0  }
0xce: {  	s7 =	simm.s32 $0x400;
	[sflag:s21] =	ssyncadd.s32 $0xFFFFFF80  }
0xcf: {  	[tilespmem:s20], [sflag:$0x1] =	stream.indirect.gather [hbm4b:s1+s24], $0x40, s7, s24, $0xb8;
	[tilespmem:$0xF580] =	vst v63  }
0xd0: {  	_ =	swait.ge [sflag:s30], $0x2000  }
0xd1: {  	[sflag:s30] =	ssyncset.done $0x0  }
0xd2: {  	[sflag:s30] =	ssyncadd.s32 $0xFFFFE000  }
0xd3: {  	[spmem:s3] =	stream.indirect.scatter.add.bf16 [tilespmem:s25], [sflag:$0x3], $0x40, s0, s24, $0xb8;
	[tilespmem:$0xF580] =	vst v63  }
0xd4: {  	_ =	swait.ge [sflag:s21], $0x2000  }
0xd5: {  	[sflag:s21] =	ssyncset.done $0x0  }
0xd6: {  	[sflag:s21] =	ssyncadd.s32 $0xFFFFE000  }
0xd7: {  	[spmem:s4] =	stream.indirect.scatter.add.f32 [tilespmem:s28], [sflag:$0x3], $0x1, s0, s24, $0xb8;
	[tilespmem:$0xF580] =	vst v63  }
0xd8: {  	_ =	swait.ge [sflag:s21], $0x80  }
0xd9: {  	[sflag:s21] =	ssyncset.done $0x0  }
0xda: {  	s31 =	simm.s32 $0x480;
	[sflag:s21] =	ssyncadd.s32 $0xFFFFFF80  }
0xdb: {  	[tilespmem:s25], [sflag:$0x2] =	stream.indirect.gather [hbm4b:s1+s24], $0x40, s31, s24, $0xb8;
	[tilespmem:$0xF580] =	vst v63  }
0xdc: {  	_ =	swait.ge [sflag:s26], $0x2000  }
0xdd: {  	[sflag:s26] =	ssyncset.done $0x0  }
0xde: {  	[sflag:s26] =	ssyncadd.s32 $0xFFFFE000  }
0xdf: {  	[spmem:s3] =	stream.indirect.scatter.add.bf16 [tilespmem:s20], [sflag:$0x3], $0x40, s12, s24, $0xb8;
	[tilespmem:$0xF580] =	vst v63  }
0xe0: {  	_ =	swait.ge [sflag:s21], $0x2000  }
0xe1: {  	[sflag:s21] =	ssyncset.done $0x0  }
0xe2: {  	[sflag:s21] =	ssyncadd.s32 $0xFFFFE000  }
0xe3: {  	[spmem:s4] =	stream.indirect.scatter.add.f32 [tilespmem:s28], [sflag:$0x3], $0x1, s12, s24, $0xb8;
	[tilespmem:$0xF580] =	vst v63  }
0xe4: {  	_ =	swait.ge [sflag:s21], $0x80  }
0xe5: {  	[sflag:s21] =	ssyncset.done $0x0  }
0xe6: {  	s6 =	simm.s32 $0x500;
	[sflag:s21] =	ssyncadd.s32 $0xFFFFFF80  }
0xe7: {  	[tilespmem:s20], [sflag:$0x1] =	stream.indirect.gather [hbm4b:s1+s24], $0x40, s6, s24, $0xb8;
	[tilespmem:$0xF580] =	vst v63  }
0xe8: {  	_ =	swait.ge [sflag:s30], $0x2000  }
0xe9: {  	[sflag:s30] =	ssyncset.done $0x0  }
0xea: {  	[sflag:s30] =	ssyncadd.s32 $0xFFFFE000  }
0xeb: {  	[spmem:s3] =	stream.indirect.scatter.add.bf16 [tilespmem:s25], [sflag:$0x3], $0x40, s17, s24, $0xb8;
	[tilespmem:$0xF580] =	vst v63  }
0xec: {  	_ =	swait.ge [sflag:s21], $0x2000  }
0xed: {  	[sflag:s21] =	ssyncset.done $0x0  }
0xee: {  	[sflag:s21] =	ssyncadd.s32 $0xFFFFE000  }
0xef: {  	[spmem:s4] =	stream.indirect.scatter.add.f32 [tilespmem:s28], [sflag:$0x3], $0x1, s17, s24, $0xb8;
	[tilespmem:$0xF580] =	vst v63  }
0xf0: {  	_ =	swait.ge [sflag:s21], $0x80  }
0xf1: {  	[sflag:s21] =	ssyncset.done $0x0  }
0xf2: {  	s7 =	simm.s32 $0x580;
	[sflag:s21] =	ssyncadd.s32 $0xFFFFFF80  }
0xf3: {  	[tilespmem:s25], [sflag:$0x2] =	stream.indirect.gather [hbm4b:s1+s24], $0x40, s7, s24, $0xb8;
	[tilespmem:$0xF580] =	vst v63  }
0xf4: {  	_ =	swait.ge [sflag:s26], $0x2000  }
0xf5: {  	[sflag:s26] =	ssyncset.done $0x0  }
0xf6: {  	[sflag:s26] =	ssyncadd.s32 $0xFFFFE000  }
0xf7: {  	[spmem:s3] =	stream.indirect.scatter.add.bf16 [tilespmem:s20], [sflag:$0x3], $0x40, s5, s24, $0xb8;
	[tilespmem:$0xF580] =	vst v63  }
0xf8: {  	_ =	swait.ge [sflag:s21], $0x2000  }
0xf9: {  	[sflag:s21] =	ssyncset.done $0x0  }
0xfa: {  	[sflag:s21] =	ssyncadd.s32 $0xFFFFE000  }
0xfb: {  	[spmem:s4] =	stream.indirect.scatter.add.f32 [tilespmem:s28], [sflag:$0x3], $0x1, s5, s24, $0xb8;
	[tilespmem:$0xF580] =	vst v63  }
0xfc: {  	_ =	swait.ge [sflag:s21], $0x80  }
0xfd: {  	[sflag:s21] =	ssyncset.done $0x0  }
0xfe: {  	s31 =	simm.s32 $0x600;
	[sflag:s21] =	ssyncadd.s32 $0xFFFFFF80  }
0xff: {  	[tilespmem:s20], [sflag:$0x1] =	stream.indirect.gather [hbm4b:s1+s24], $0x40, s31, s24, $0xb8;
	[tilespmem:$0xF580] =	vst v63  }
0x100: {  	_ =	swait.ge [sflag:s30], $0x2000  }
0x101: {  	[sflag:s30] =	ssyncset.done $0x0  }
0x102: {  	[sflag:s30] =	ssyncadd.s32 $0xFFFFE000  }
0x103: {  	[spmem:s3] =	stream.indirect.scatter.add.bf16 [tilespmem:s25], [sflag:$0x3], $0x40, s10, s24, $0xb8;
	[tilespmem:$0xF580] =	vst v63  }
0x104: {  	_ =	swait.ge [sflag:s21], $0x2000  }
0x105: {  	[sflag:s21] =	ssyncset.done $0x0  }
0x106: {  	[sflag:s21] =	ssyncadd.s32 $0xFFFFE000  }
0x107: {  	[spmem:s4] =	stream.indirect.scatter.add.f32 [tilespmem:s28], [sflag:$0x3], $0x1, s10, s24, $0xb8;
	[tilespmem:$0xF580] =	vst v63  }
0x108: {  	_ =	swait.ge [sflag:s21], $0x80  }
0x109: {  	[sflag:s21] =	ssyncset.done $0x0  }
0x10a: {  	s6 =	simm.s32 $0x680;
	[sflag:s21] =	ssyncadd.s32 $0xFFFFFF80  }
0x10b: {  	[tilespmem:s25], [sflag:$0x2] =	stream.indirect.gather [hbm4b:s1+s24], $0x40, s6, s24, $0xb8;
	[tilespmem:$0xF580] =	vst v63  }
0x10c: {  	_ =	swait.ge [sflag:s26], $0x2000  }
0x10d: {  	[sflag:s26] =	ssyncset.done $0x0  }
0x10e: {  	[sflag:s26] =	ssyncadd.s32 $0xFFFFE000  }
0x10f: {  	[spmem:s3] =	stream.indirect.scatter.add.bf16 [tilespmem:s20], [sflag:$0x3], $0x40, s15, s24, $0xb8;
	[tilespmem:$0xF580] =	vst v63  }
0x110: {  	_ =	swait.ge [sflag:s21], $0x2000  }
0x111: {  	[sflag:s21] =	ssyncset.done $0x0  }
0x112: {  	[sflag:s21] =	ssyncadd.s32 $0xFFFFE000  }
0x113: {  	[spmem:s4] =	stream.indirect.scatter.add.f32 [tilespmem:s28], [sflag:$0x3], $0x1, s15, s24, $0xb8;
	[tilespmem:$0xF580] =	vst v63  }
0x114: {  	_ =	swait.ge [sflag:s21], $0x80  }
0x115: {  	[sflag:s21] =	ssyncset.done $0x0  }
0x116: {  	s7 =	simm.s32 $0x700;
	[sflag:s21] =	ssyncadd.s32 $0xFFFFFF80  }
0x117: {  	[tilespmem:s20], [sflag:$0x1] =	stream.indirect.gather [hbm4b:s1+s24], $0x40, s7, s24, $0xb8;
	[tilespmem:$0xF580] =	vst v63  }
0x118: {  	_ =	swait.ge [sflag:s30], $0x2000  }
0x119: {  	[sflag:s30] =	ssyncset.done $0x0  }
0x11a: {  	[sflag:s30] =	ssyncadd.s32 $0xFFFFE000  }
0x11b: {  	[spmem:s3] =	stream.indirect.scatter.add.bf16 [tilespmem:s25], [sflag:$0x3], $0x40, s9, s24, $0xb8;
	[tilespmem:$0xF580] =	vst v63  }
0x11c: {  	_ =	swait.ge [sflag:s21], $0x2000  }
0x11d: {  	[sflag:s21] =	ssyncset.done $0x0  }
0x11e: {  	[sflag:s21] =	ssyncadd.s32 $0xFFFFE000  }
0x11f: {  	[spmem:s4] =	stream.indirect.scatter.add.f32 [tilespmem:s28], [sflag:$0x3], $0x1, s9, s24, $0xb8;
	[tilespmem:$0xF580] =	vst v63  }
0x120: {  	_ =	swait.ge [sflag:s21], $0x80  }
0x121: {  	[sflag:s21] =	ssyncset.done $0x0  }
0x122: {  	s31 =	simm.s32 $0x780;
	[sflag:s21] =	ssyncadd.s32 $0xFFFFFF80  }
0x123: {  	[tilespmem:s25], [sflag:$0x2] =	stream.indirect.gather [hbm4b:s1+s24], $0x40, s31, s24, $0xb8;
	[tilespmem:$0xF580] =	vst v63  }
0x124: {  	_ =	swait.ge [sflag:s26], $0x2000  }
0x125: {  	[sflag:s26] =	ssyncset.done $0x0  }
0x126: {  	[sflag:s26] =	ssyncadd.s32 $0xFFFFE000  }
0x127: {  	[spmem:s3] =	stream.indirect.scatter.add.bf16 [tilespmem:s20], [sflag:$0x3], $0x40, s11, s24, $0xb8;
	[tilespmem:$0xF580] =	vst v63  }
0x128: {  	_ =	swait.ge [sflag:s21], $0x2000  }
0x129: {  	[sflag:s21] =	ssyncset.done $0x0  }
0x12a: {  	[sflag:s21] =	ssyncadd.s32 $0xFFFFE000  }
0x12b: {  	[spmem:s4] =	stream.indirect.scatter.add.f32 [tilespmem:s28], [sflag:$0x3], $0x1, s11, s24, $0xb8;
	[tilespmem:$0xF580] =	vst v63  }
0x12c: {  	_ =	swait.ge [sflag:s21], $0x80  }
0x12d: {  	[sflag:s21] =	ssyncset.done $0x0  }
0x12e: {  	[sflag:s21] =	ssyncadd.s32 $0xFFFFFF80  }
0x12f: {  	_ =	swait.ge [sflag:s30], $0x2000  }
0x130: {  	[sflag:s30] =	ssyncset.done $0x0  }
0x131: {  	[sflag:s30] =	ssyncadd.s32 $0xFFFFE000  }
0x132: {  	[spmem:s3] =	stream.indirect.scatter.add.bf16 [tilespmem:s25], [sflag:$0x3], $0x40, s14, s24, $0xb8;
	[tilespmem:$0xF580] =	vst v63  }
0x133: {  	_ =	swait.ge [sflag:s21], $0x2000  }
0x134: {  	[sflag:s21] =	ssyncset.done $0x0  }
0x135: {  	p0 =	seq.s32 s8, $0x2000;
	[sflag:s21] =	ssyncadd.s32 $0xFFFFE000  }
0x136: {  	[spmem:s4] =	stream.indirect.scatter.add.f32 [tilespmem:s28], [sflag:$0x3], $0x1, s14, s24, $0xb8;
	[tilespmem:$0xF580] =	vst v63  }
0x137: {  	s2 =	sadd.s32 @!p0 s8, s22;
	_ =	swait.ge [sflag:s21], $0x80  }
0x138: {  	s2 =	sshrl.u32 @!p0 s2, $0x3;
	[sflag:s21] =	ssyncset.done $0x0  }
0x139: {  	s6 =	sadd.s32 @!p0 s19, s2;
	s7 =	simm.s32 @!p0 $0x0;
	[sflag:s21] =	ssyncadd.s32 $0xFFFFFF80  }
0x13a: {  	[tilespmem:s7], [sflag:$0x3] =	stream.linear.gather @!p0 [hbm4b:s6+s7], $0x800, $0x38;
	[tilespmem:$0xF580] =	vst v63  }
0x13b: {  	s6 =	simm.s32 @!p0 $0x3  }
0x13c: {  	_ =	swait.ge @!p0 [sflag:s6], $0x800  }
0x13d: {  	s2 =	sadd.s32 @!p0 s23, s2;
	s31 =	smov.u32 s23;
	[sflag:s6] =	ssyncset.done @!p0 $0x0  }
0x13e: {  	s23 =	smov.u32 s19;
	s19 =	simm.s32 @!p0 $0x800;
	[sflag:s6] =	ssyncadd.s32 @!p0 $0xFFFFF800  }
0x13f: {  	[tilespmem:s19], [sflag:$0x3] =	stream.linear.gather @!p0 [hbm4b:s2+s7], $0x800, $0x38;
	[tilespmem:$0xF580] =	vst v63  }
0x140: {  	s8 =	sadd.s32 @!p0 $0x800, s8;
	_ =	swait.ge @!p0 [sflag:s6], $0x800  }
0x141: {  	p1 =	sne.s32 @!p0 s8, $0x2800;
	[sflag:s6] =	ssyncset.done @!p0 $0x0  }
0x142: {  	s2 =	simm.s32 @!p0 $0x80;
	[sflag:s6] =	ssyncadd.s32 @!p0 $0xFFFFF800;
	s6 =	simm.s32 @!p0 $0x1000  }
0x143: {  	[tilespmem:s6], [sflag:$0x1] =	stream.indirect.gather @!p0 [hbm4b:s1+s2], $0x40, s7, s2, $0xb8;
	[tilespmem:$0xF580] =	vst v63  }
0x144: {  	p0 =	por p0, !p1  }
.Ltmp1:
0x145: {  	_ = 	snop;
	(pc) =	sbr.rel @!p0 .LBB2_4-.Ltmp1, $2  }
0x146: {  	_ =	sdelay $0x2  }
0x147: {  	s19 =	smov.u32 s23;
	s23 =	smov.u32 s31  }
0x148: {  	s2 =	stileid.u32;
	[bflag:$0x0] =	sbarrier.arrive $0xFFFF  }
0x149: {  	s2 =	sshll.u32 s2, $0x6;
	s31 =	rddreg [dreg:$0x6]  }
0x14a: {  	s7 =	rddreg [dreg:$0xe];
	s2 =	sor.u32 $0x1C03, s2;
	s6 =	sshrl.u32 s31, $0x3  }
0x14b: {  	[hbm:s7], [sflag:s2] =	dma.local [spmem:s6], $0x1400  }
0x14c: {  	_ =	swait.ge [sflag:s21], $0x1400  }
0x14d: {  	[sflag:s21] =	ssyncset.done $0x0;
	s7 =	rddreg [dreg:$0xb]  }
0x14e: {  	s8 =	rddreg [dreg:$0xf];
	[sflag:s21] =	ssyncadd.s32 $0xFFFFEC00;
	s6 =	sshrl.u32 s7, $0x3  }
0x14f: {  	[hbm:s8], [sflag:s2] =	dma.local [spmem:s6], $0x50  }
0x150: {  	_ =	swait.ge [sflag:s21], $0x50  }
0x151: {  	s9 =	rddreg [dreg:$0x5]  }
0x152: {  	s22 =	rddreg [dreg:$0x10];
	s7 =	sadd.s32 $0x1, s9  }
0x153: {  	p0 =	sne.s32 s7, s22  }
.Ltmp2:
0x154: {  	_ = 	snop;
	(pc) =	sbr.rel @p0 .LBB2_1-.Ltmp2, $3  }
0x155: {  	_ =	sdelay $0x1  }
0x156: {  	[sflag:s21] =	ssyncset.done $0x0  }
0x157: {  	[sflag:s21] =	ssyncadd.s32 $0xFFFFFFB0;
	s9 =	simm.s32 $0x800  }
0x158: {  	_ =	sfence.sel $0x180000  }
0x159: {  	[bflag:$0x0] =	sbarrier.arrive $0xFFFF  }
0x15a: {  	_ =	strace $0x90000047  }
0x15b: {  	s0 =	stileid.u32;
	[bflag:$0x2] =	sbarrier.arrive $0xFFFF  }
0x15c: {  	p0 =	sne.s32 s0, $0x0;
	s0 =	rddreg [dreg:$0x4]  }
0x15d: {  	s0 =	sadd.s32 @!p0 $0x100000, s0  }
0x15e: {  	[sflag:s0] =	ssyncadd.tile.s32 @!p0 $0x1;
	_ =	shalt  }
.Lfunc_end2:
_tile_overlayer_lowered:
.L_overlay_start_2:
0x15f: {  	(tag) =	ssettag $0x2  }
0x160: {  	s0 =	rddreg [dreg:$0x0];
	s2 =	stileid.u32  }
0x161: {  	s1 =	rddreg [dreg:$0x1];
	p0 =	sne.s32 s2, $0x0  }
0x162: {  	s3 =	rddreg [dreg:$0x2];
	[bflag:$0x3] =	sbarrier.arrive $0xFFFF;
	s2 =	simm.s32 @!p0 $0x1C03  }
0x163: {  	[timem:s3], [sflag:s2] =	dma.local @!p0 [hbm:s0], s1  }
0x164: {  	s0 =	simm.s32 @!p0 $0x3  }
0x165: {  	_ =	swait.ge @!p0 [sflag:s0], s1  }
0x166: {  	s1 =	ssub.s32 @!p0 $0x0, s1;
	[sflag:s0] =	ssyncset.done @!p0 $0x0  }
0x167: {  	[sflag:s0] =	ssyncadd.s32 @!p0 s1  }
0x168: {  	[bflag:$0x3] =	sbarrier.arrive $0xFFFF  }
0x169: {  	_ =	shalt  }

</sc_bundles>
